<compile_context>
chip_gen: v7x
topology: tpu7x:2x2x1
jax: 0.10.2.dev20260603
libtpu: 0.0.44.dev20260713+nightly
codegen_flags: <defaults>
</compile_context>

<pallas_src>
import functools

import jax
import jax.numpy as jnp
from jax.experimental import pallas as pl
from jax.experimental.pallas import tpu as pltpu

M = 100000
D = 768
B = 4096
Q = 8
TOPK = 16

BM = 2000
NBLK = M // BM
BN = 2048
NNEW = B // BN
NSTEP = NBLK + NNEW
CSLOT = 128
CAND_PAD = NSTEP * CSLOT

NEG = -3e38
BIGI = 2**30


def _block_topk(x, colids, k):
    def body(_, carry):
        x, vals, ids, j = carry
        cur = jnp.max(x, axis=1, keepdims=True)
        hit = x == cur
        cid = jnp.min(jnp.where(hit, colids, BIGI), axis=1, keepdims=True)
        x = jnp.where(colids == cid, NEG, x)
        vals = jnp.where(jax.lax.broadcasted_iota(jnp.int32, vals.shape, 1) == j,
                         cur, vals)
        ids = jnp.where(jax.lax.broadcasted_iota(jnp.int32, ids.shape, 1) == j,
                        cid, ids)
        return x, vals, ids, j + 1

    vals = jnp.full((x.shape[0], k), NEG, jnp.float32)
    ids = jnp.full((x.shape[0], k), BIGI, jnp.int32)
    x, vals, ids, _ = jax.lax.fori_loop(0, k, body, (x, vals, ids, 0))
    return vals, ids



def _rownormsq(x):
    def pairsq(a, b):
        return a * a + b * b

    parts = []
    for c in range(3):
        p = pairsq(x[:, 256 * c:256 * c + 128], x[:, 256 * c + 128:256 * c + 256])
        s = p[:, 0:8]
        for m in range(1, 16):
            s = s + p[:, 8 * m:8 * m + 8]
        a = s[:, 0:4] + s[:, 4:8]
        b = a[:, 0:2] + a[:, 2:4]
        parts.append(b[:, 0:1] + b[:, 1:2])
    return (parts[0] + parts[1]) + parts[2]


def _dense_kernel(mem_ref, new_ref, q_ref, pen_ref, nid_ref, npen_ref,
                  vals_ref, inds_ref, cv_ref, ci_ref):
    i = pl.program_id(0)

    q = q_ref[...]
    qn = q / (jnp.sqrt(jnp.sum(q * q, axis=1, keepdims=True)) + 1e-8)

    def score(blk, colids, pen):
        nrm = jnp.sqrt(_rownormsq(blk))
        bn = blk / (nrm + 1e-8)
        sims = jax.lax.dot_general(
            qn, bn, (((1,), (1,)), ((), ())),
            preferred_element_type=jnp.float32) + pen
        bvals, bids = _block_topk(sims, colids, TOPK)
        w = bvals.shape[1]
        lane = jax.lax.broadcasted_iota(jnp.int32, (Q, CSLOT), 1)
        pv = jnp.where(lane < TOPK,
                       jnp.pad(bvals, ((0, 0), (0, CSLOT - w))), NEG)
        pi = jnp.where(lane < TOPK,
                       jnp.pad(bids, ((0, 0), (0, CSLOT - w))), BIGI)
        cv_ref[:, pl.ds(i * CSLOT, CSLOT)] = pv
        ci_ref[:, pl.ds(i * CSLOT, CSLOT)] = pi

    @pl.when(i < NBLK)
    def _():
        colids = i * BM + jax.lax.broadcasted_iota(jnp.int32, (Q, BM), 1)
        score(mem_ref[...], colids, pen_ref[0])

    @pl.when(i >= NBLK)
    def _():
        colids = jnp.broadcast_to(nid_ref[0], (Q, BN))
        score(new_ref[...], colids, npen_ref[0])

    @pl.when(i == NSTEP - 1)
    def _():
        fv, fi = _block_topk(cv_ref[...], ci_ref[...], TOPK)
        vals_ref[...] = fv
        inds_ref[...] = fi


@jax.jit
def kernel(memory_features, idx, new_features, query_features):
    penalty = jnp.zeros((M,), jnp.float32).at[idx].set(NEG)
    order = jnp.argsort(idx, stable=True)
    sidx = idx[order]
    last_in_run = jnp.concatenate(
        [sidx[1:] != sidx[:-1], jnp.ones((1,), bool)])
    keep = jnp.zeros((B,), bool).at[order].set(last_in_run)
    new_pen = jnp.where(keep, 0.0, NEG).astype(jnp.float32)

    vals, inds = pl.pallas_call(
        _dense_kernel,
        grid=(NSTEP,),
        in_specs=[
            pl.BlockSpec((BM, D), lambda i: (jnp.minimum(i, NBLK - 1), 0)),
            pl.BlockSpec((BN, D),
                         lambda i: (jnp.maximum(i - NBLK, 0), 0)),
            pl.BlockSpec((Q, D), lambda i: (0, 0)),
            pl.BlockSpec((1, 1, BM),
                         lambda i: (jnp.minimum(i, NBLK - 1), 0, 0)),
            pl.BlockSpec((1, 1, BN),
                         lambda i: (jnp.maximum(i - NBLK, 0), 0, 0)),
            pl.BlockSpec((1, 1, BN),
                         lambda i: (jnp.maximum(i - NBLK, 0), 0, 0)),
        ],
        out_specs=[
            pl.BlockSpec((Q, TOPK), lambda i: (0, 0)),
            pl.BlockSpec((Q, TOPK), lambda i: (0, 0)),
        ],
        out_shape=[
            jax.ShapeDtypeStruct((Q, TOPK), jnp.float32),
            jax.ShapeDtypeStruct((Q, TOPK), jnp.int32),
        ],
        scratch_shapes=[
            pltpu.VMEM((Q, CAND_PAD), jnp.float32),
            pltpu.VMEM((Q, CAND_PAD), jnp.int32),
        ],
    )(memory_features, new_features, query_features,
      penalty.reshape(NBLK, 1, BM), idx.reshape(NNEW, 1, BN),
      new_pen.reshape(NNEW, 1, BN))
    return vals, inds

# --- scband reference (transcript-rebuilt; emitter-appended) ---
"""Pipeline reference for scband-hippocampal-formation-56410100466013 (READ-ONLY COPY).

The authoritative reference and input builder live on the scoring server;
editing this copy changes nothing except your own understanding.
"""

import jax, jax.numpy as jnp
import numpy as np

M = 100000
D = 768
B = 4096
Q = 8
TOPK = 16

def setup_inputs(seed: int = 0) -> dict:
    key = jax.random.key(seed)
    k1, k2, k3, k4 = jax.random.split(key, 4)
    memory_features = jax.random.normal(k1, (M, D), dtype=jnp.float32)
    idx = jax.random.randint(k2, (B,), 0, M, dtype=jnp.int32)
    new_features = jax.random.normal(k3, (B, D), dtype=jnp.float32)
    query_features = jax.random.normal(k4, (Q, D), dtype=jnp.float32)
    return {
        'memory_features': memory_features,
        'idx': idx,
        'new_features': new_features,
        'query_features': query_features,
    }

def reference(memory_features, idx, new_features, query_features):
    # Batched create_episodic_memory: scatter-overwrite feature rows into the
    # pre-allocated memory bank at slot indices (wrap-around handled upstream).
    mem = memory_features.at[idx].set(new_features)
    # retrieve_similar_memories: cosine similarity of queries vs full bank
    mem_norm = mem / (jnp.linalg.norm(mem, axis=1, keepdims=True) + 1e-8)
    q_norm = query_features / (jnp.linalg.norm(query_features, axis=1, keepdims=True) + 1e-8)
    sims = q_norm @ mem_norm.T  # [Q, M]
    vals, inds = jax.lax.top_k(sims, TOPK)
    return (vals, inds)

if __name__ == "__main__":
    import jax
    _d = setup_inputs()
    print(jax.jit(kernel)(*tuple(_d.values())))

</pallas_src>

<mosaic_0001>
module attributes {stable_mosaic.version = 14 : i64} {
  func.func @_dense_kernel(%arg0: i32, %arg1: memref<2000x768xf32, #tpu.memory_space<vmem>>, %arg2: memref<2048x768xf32, #tpu.memory_space<vmem>>, %arg3: memref<8x768xf32, #tpu.memory_space<vmem>>, %arg4: memref<1x1x2000xf32, #tpu.memory_space<vmem>>, %arg5: memref<1x1x2048xi32, #tpu.memory_space<vmem>>, %arg6: memref<1x1x2048xf32, #tpu.memory_space<vmem>>, %arg7: memref<8x16xf32, #tpu.memory_space<vmem>>, %arg8: memref<8x16xi32, #tpu.memory_space<vmem>>, %arg9: memref<8x6656xf32, #tpu.memory_space<vmem>>, %arg10: memref<8x6656xi32, #tpu.memory_space<vmem>>) attributes {dimension_semantics = [#tpu.dimension_semantics<arbitrary>], iteration_bounds = array<i64: 52>, scalar_prefetch = 0 : i64, scratch_operands = 2 : i64, tpu.core_type = #tpu.core_type<tc>, window_params = [{transform_indices = @transform_0, window_bounds = array<i64: 2000, 768>}, {transform_indices = @transform_1, window_bounds = array<i64: 2048, 768>}, {pipeline_mode = #tpu.pipeline_mode<synchronous>, transform_indices = @transform_2, window_bounds = array<i64: 8, 768>}, {transform_indices = @transform_3, window_bounds = array<i64: 1, 1, 2000>}, {transform_indices = @transform_4, window_bounds = array<i64: 1, 1, 2048>}, {transform_indices = @transform_5, window_bounds = array<i64: 1, 1, 2048>}, {pipeline_mode = #tpu.pipeline_mode<synchronous>, transform_indices = @transform_6, window_bounds = array<i64: 8, 16>}, {pipeline_mode = #tpu.pipeline_mode<synchronous>, transform_indices = @transform_7, window_bounds = array<i64: 8, 16>}]} {
    %get3A = arith.constant 0 : index
    %get3A_0 = arith.constant 0 : index
    %get3A_1 = vector.load %arg3[%get3A, %get3A_0] : memref<8x768xf32, #tpu.memory_space<vmem>>, vector<8x768xf32>
    %mul3A = arith.mulf %get3A_1, %get3A_1 : vector<8x768xf32>
    %reduce_sum3A = arith.constant dense<0.000000e+00> : vector<8xf32>
    %reduce_sum3A_2 = vector.multi_reduction <add>, %mul3A, %reduce_sum3A [1] : vector<8x768xf32> to vector<8xf32>
    %broadcast_in_dim3A = vector.shape_cast %reduce_sum3A_2 : vector<8xf32> to vector<8x1xf32>
    %sqrt3A = math.sqrt %broadcast_in_dim3A : vector<8x1xf32>
    %add3A = arith.constant 9.99999993E-9 : f32
    %add3A_3 = vector.broadcast %add3A : f32 to vector<8x1xf32>
    %add3A_4 = arith.addf %sqrt3A, %add3A_3 : vector<8x1xf32>
    %div3A = vector.broadcast %add3A_4 : vector<8x1xf32> to vector<8x768xf32>
    %div3A_5 = arith.divf %get3A_1, %div3A : vector<8x768xf32>
    %lt3A = arith.constant 50 : i32
    %lt3A_6 = arith.cmpi slt, %arg0, %lt3A : i32
    %convert_element_type3A = arith.extui %lt3A_6 : i1 to i32
    %cond3A = arith.constant 0 : i32
    %cond3A_7 = arith.cmpi ne, %convert_element_type3A, %cond3A : i32
    scf.if %cond3A_7 {
      %mul3A_16 = arith.constant 2000 : i32
      %mul3A_17 = arith.muli %arg0, %mul3A_16 : i32
      %iota3A = tpu.iota {dimensions = array<i32: 1>} : vector<8x2000xi32>
      %add3A_18 = vector.broadcast %mul3A_17 : i32 to vector<8x2000xi32>
      %add3A_19 = arith.addi %add3A_18, %iota3A : vector<8x2000xi32>
      %get3A_20 = arith.constant 0 : index
      %get3A_21 = arith.constant 0 : index
      %get3A_22 = vector.load %arg1[%get3A_20, %get3A_21] : memref<2000x768xf32, #tpu.memory_space<vmem>>, vector<2000x768xf32>
      %get3A_23 = arith.constant 0 : index
      %get3A_24 = arith.constant 0 : index
      %get3A_25 = arith.constant 0 : index
      %get3A_26 = vector.load %arg4[%get3A_23, %get3A_24, %get3A_25] : memref<1x1x2000xf32, #tpu.memory_space<vmem>>, vector<1x1x2000xf32>
      %get3A_27 = vector.shape_cast %get3A_26 : vector<1x1x2000xf32> to vector<1x2000xf32>
      %slice3A = vector.extract_strided_slice %get3A_22 {offsets = [0, 0], sizes = [2000, 128], strides = [1, 1]} : vector<2000x768xf32> to vector<2000x128xf32>
      %slice3A_28 = vector.extract_strided_slice %get3A_22 {offsets = [0, 128], sizes = [2000, 128], strides = [1, 1]} : vector<2000x768xf32> to vector<2000x128xf32>
      %mul3A_29 = arith.mulf %slice3A, %slice3A : vector<2000x128xf32>
      %mul3A_30 = arith.mulf %slice3A_28, %slice3A_28 : vector<2000x128xf32>
      %add3A_31 = arith.addf %mul3A_29, %mul3A_30 : vector<2000x128xf32>
      %slice3A_32 = vector.extract_strided_slice %add3A_31 {offsets = [0, 0], sizes = [2000, 8], strides = [1, 1]} : vector<2000x128xf32> to vector<2000x8xf32>
      %slice3A_33 = vector.extract_strided_slice %add3A_31 {offsets = [0, 8], sizes = [2000, 8], strides = [1, 1]} : vector<2000x128xf32> to vector<2000x8xf32>
      %add3A_34 = arith.addf %slice3A_32, %slice3A_33 : vector<2000x8xf32>
      %slice3A_35 = vector.extract_strided_slice %add3A_31 {offsets = [0, 16], sizes = [2000, 8], strides = [1, 1]} : vector<2000x128xf32> to vector<2000x8xf32>
      %add3A_36 = arith.addf %add3A_34, %slice3A_35 : vector<2000x8xf32>
      %slice3A_37 = vector.extract_strided_slice %add3A_31 {offsets = [0, 24], sizes = [2000, 8], strides = [1, 1]} : vector<2000x128xf32> to vector<2000x8xf32>
      %add3A_38 = arith.addf %add3A_36, %slice3A_37 : vector<2000x8xf32>
      %slice3A_39 = vector.extract_strided_slice %add3A_31 {offsets = [0, 32], sizes = [2000, 8], strides = [1, 1]} : vector<2000x128xf32> to vector<2000x8xf32>
      %add3A_40 = arith.addf %add3A_38, %slice3A_39 : vector<2000x8xf32>
      %slice3A_41 = vector.extract_strided_slice %add3A_31 {offsets = [0, 40], sizes = [2000, 8], strides = [1, 1]} : vector<2000x128xf32> to vector<2000x8xf32>
      %add3A_42 = arith.addf %add3A_40, %slice3A_41 : vector<2000x8xf32>
      %slice3A_43 = vector.extract_strided_slice %add3A_31 {offsets = [0, 48], sizes = [2000, 8], strides = [1, 1]} : vector<2000x128xf32> to vector<2000x8xf32>
      %add3A_44 = arith.addf %add3A_42, %slice3A_43 : vector<2000x8xf32>
      %slice3A_45 = vector.extract_strided_slice %add3A_31 {offsets = [0, 56], sizes = [2000, 8], strides = [1, 1]} : vector<2000x128xf32> to vector<2000x8xf32>
      %add3A_46 = arith.addf %add3A_44, %slice3A_45 : vector<2000x8xf32>
      %slice3A_47 = vector.extract_strided_slice %add3A_31 {offsets = [0, 64], sizes = [2000, 8], strides = [1, 1]} : vector<2000x128xf32> to vector<2000x8xf32>
      %add3A_48 = arith.addf %add3A_46, %slice3A_47 : vector<2000x8xf32>
      %slice3A_49 = vector.extract_strided_slice %add3A_31 {offsets = [0, 72], sizes = [2000, 8], strides = [1, 1]} : vector<2000x128xf32> to vector<2000x8xf32>
      %add3A_50 = arith.addf %add3A_48, %slice3A_49 : vector<2000x8xf32>
      %slice3A_51 = vector.extract_strided_slice %add3A_31 {offsets = [0, 80], sizes = [2000, 8], strides = [1, 1]} : vector<2000x128xf32> to vector<2000x8xf32>
      %add3A_52 = arith.addf %add3A_50, %slice3A_51 : vector<2000x8xf32>
      %slice3A_53 = vector.extract_strided_slice %add3A_31 {offsets = [0, 88], sizes = [2000, 8], strides = [1, 1]} : vector<2000x128xf32> to vector<2000x8xf32>
      %add3A_54 = arith.addf %add3A_52, %slice3A_53 : vector<2000x8xf32>
      %slice3A_55 = vector.extract_strided_slice %add3A_31 {offsets = [0, 96], sizes = [2000, 8], strides = [1, 1]} : vector<2000x128xf32> to vector<2000x8xf32>
      %add3A_56 = arith.addf %add3A_54, %slice3A_55 : vector<2000x8xf32>
      %slice3A_57 = vector.extract_strided_slice %add3A_31 {offsets = [0, 104], sizes = [2000, 8], strides = [1, 1]} : vector<2000x128xf32> to vector<2000x8xf32>
      %add3A_58 = arith.addf %add3A_56, %slice3A_57 : vector<2000x8xf32>
      %slice3A_59 = vector.extract_strided_slice %add3A_31 {offsets = [0, 112], sizes = [2000, 8], strides = [1, 1]} : vector<2000x128xf32> to vector<2000x8xf32>
      %add3A_60 = arith.addf %add3A_58, %slice3A_59 : vector<2000x8xf32>
      %slice3A_61 = vector.extract_strided_slice %add3A_31 {offsets = [0, 120], sizes = [2000, 8], strides = [1, 1]} : vector<2000x128xf32> to vector<2000x8xf32>
      %add3A_62 = arith.addf %add3A_60, %slice3A_61 : vector<2000x8xf32>
      %slice3A_63 = vector.extract_strided_slice %add3A_62 {offsets = [0, 0], sizes = [2000, 4], strides = [1, 1]} : vector<2000x8xf32> to vector<2000x4xf32>
      %slice3A_64 = vector.extract_strided_slice %add3A_62 {offsets = [0, 4], sizes = [2000, 4], strides = [1, 1]} : vector<2000x8xf32> to vector<2000x4xf32>
      %add3A_65 = arith.addf %slice3A_63, %slice3A_64 : vector<2000x4xf32>
      %slice3A_66 = vector.extract_strided_slice %add3A_65 {offsets = [0, 0], sizes = [2000, 2], strides = [1, 1]} : vector<2000x4xf32> to vector<2000x2xf32>
      %slice3A_67 = vector.extract_strided_slice %add3A_65 {offsets = [0, 2], sizes = [2000, 2], strides = [1, 1]} : vector<2000x4xf32> to vector<2000x2xf32>
      %add3A_68 = arith.addf %slice3A_66, %slice3A_67 : vector<2000x2xf32>
      %slice3A_69 = vector.extract_strided_slice %add3A_68 {offsets = [0, 0], sizes = [2000, 1], strides = [1, 1]} : vector<2000x2xf32> to vector<2000x1xf32>
      %slice3A_70 = vector.extract_strided_slice %add3A_68 {offsets = [0, 1], sizes = [2000, 1], strides = [1, 1]} : vector<2000x2xf32> to vector<2000x1xf32>
      %add3A_71 = arith.addf %slice3A_69, %slice3A_70 : vector<2000x1xf32>
      %slice3A_72 = vector.extract_strided_slice %get3A_22 {offsets = [0, 256], sizes = [2000, 128], strides = [1, 1]} : vector<2000x768xf32> to vector<2000x128xf32>
      %slice3A_73 = vector.extract_strided_slice %get3A_22 {offsets = [0, 384], sizes = [2000, 128], strides = [1, 1]} : vector<2000x768xf32> to vector<2000x128xf32>
      %mul3A_74 = arith.mulf %slice3A_72, %slice3A_72 : vector<2000x128xf32>
      %mul3A_75 = arith.mulf %slice3A_73, %slice3A_73 : vector<2000x128xf32>
      %add3A_76 = arith.addf %mul3A_74, %mul3A_75 : vector<2000x128xf32>
      %slice3A_77 = vector.extract_strided_slice %add3A_76 {offsets = [0, 0], sizes = [2000, 8], strides = [1, 1]} : vector<2000x128xf32> to vector<2000x8xf32>
      %slice3A_78 = vector.extract_strided_slice %add3A_76 {offsets = [0, 8], sizes = [2000, 8], strides = [1, 1]} : vector<2000x128xf32> to vector<2000x8xf32>
      %add3A_79 = arith.addf %slice3A_77, %slice3A_78 : vector<2000x8xf32>
      %slice3A_80 = vector.extract_strided_slice %add3A_76 {offsets = [0, 16], sizes = [2000, 8], strides = [1, 1]} : vector<2000x128xf32> to vector<2000x8xf32>
      %add3A_81 = arith.addf %add3A_79, %slice3A_80 : vector<2000x8xf32>
      %slice3A_82 = vector.extract_strided_slice %add3A_76 {offsets = [0, 24], sizes = [2000, 8], strides = [1, 1]} : vector<2000x128xf32> to vector<2000x8xf32>
      %add3A_83 = arith.addf %add3A_81, %slice3A_82 : vector<2000x8xf32>
      %slice3A_84 = vector.extract_strided_slice %add3A_76 {offsets = [0, 32], sizes = [2000, 8], strides = [1, 1]} : vector<2000x128xf32> to vector<2000x8xf32>
      %add3A_85 = arith.addf %add3A_83, %slice3A_84 : vector<2000x8xf32>
      %slice3A_86 = vector.extract_strided_slice %add3A_76 {offsets = [0, 40], sizes = [2000, 8], strides = [1, 1]} : vector<2000x128xf32> to vector<2000x8xf32>
      %add3A_87 = arith.addf %add3A_85, %slice3A_86 : vector<2000x8xf32>
      %slice3A_88 = vector.extract_strided_slice %add3A_76 {offsets = [0, 48], sizes = [2000, 8], strides = [1, 1]} : vector<2000x128xf32> to vector<2000x8xf32>
      %add3A_89 = arith.addf %add3A_87, %slice3A_88 : vector<2000x8xf32>
      %slice3A_90 = vector.extract_strided_slice %add3A_76 {offsets = [0, 56], sizes = [2000, 8], strides = [1, 1]} : vector<2000x128xf32> to vector<2000x8xf32>
      %add3A_91 = arith.addf %add3A_89, %slice3A_90 : vector<2000x8xf32>
      %slice3A_92 = vector.extract_strided_slice %add3A_76 {offsets = [0, 64], sizes = [2000, 8], strides = [1, 1]} : vector<2000x128xf32> to vector<2000x8xf32>
      %add3A_93 = arith.addf %add3A_91, %slice3A_92 : vector<2000x8xf32>
      %slice3A_94 = vector.extract_strided_slice %add3A_76 {offsets = [0, 72], sizes = [2000, 8], strides = [1, 1]} : vector<2000x128xf32> to vector<2000x8xf32>
      %add3A_95 = arith.addf %add3A_93, %slice3A_94 : vector<2000x8xf32>
      %slice3A_96 = vector.extract_strided_slice %add3A_76 {offsets = [0, 80], sizes = [2000, 8], strides = [1, 1]} : vector<2000x128xf32> to vector<2000x8xf32>
      %add3A_97 = arith.addf %add3A_95, %slice3A_96 : vector<2000x8xf32>
      %slice3A_98 = vector.extract_strided_slice %add3A_76 {offsets = [0, 88], sizes = [2000, 8], strides = [1, 1]} : vector<2000x128xf32> to vector<2000x8xf32>
      %add3A_99 = arith.addf %add3A_97, %slice3A_98 : vector<2000x8xf32>
      %slice3A_100 = vector.extract_strided_slice %add3A_76 {offsets = [0, 96], sizes = [2000, 8], strides = [1, 1]} : vector<2000x128xf32> to vector<2000x8xf32>
      %add3A_101 = arith.addf %add3A_99, %slice3A_100 : vector<2000x8xf32>
      %slice3A_102 = vector.extract_strided_slice %add3A_76 {offsets = [0, 104], sizes = [2000, 8], strides = [1, 1]} : vector<2000x128xf32> to vector<2000x8xf32>
      %add3A_103 = arith.addf %add3A_101, %slice3A_102 : vector<2000x8xf32>
      %slice3A_104 = vector.extract_strided_slice %add3A_76 {offsets = [0, 112], sizes = [2000, 8], strides = [1, 1]} : vector<2000x128xf32> to vector<2000x8xf32>
      %add3A_105 = arith.addf %add3A_103, %slice3A_104 : vector<2000x8xf32>
      %slice3A_106 = vector.extract_strided_slice %add3A_76 {offsets = [0, 120], sizes = [2000, 8], strides = [1, 1]} : vector<2000x128xf32> to vector<2000x8xf32>
      %add3A_107 = arith.addf %add3A_105, %slice3A_106 : vector<2000x8xf32>
      %slice3A_108 = vector.extract_strided_slice %add3A_107 {offsets = [0, 0], sizes = [2000, 4], strides = [1, 1]} : vector<2000x8xf32> to vector<2000x4xf32>
      %slice3A_109 = vector.extract_strided_slice %add3A_107 {offsets = [0, 4], sizes = [2000, 4], strides = [1, 1]} : vector<2000x8xf32> to vector<2000x4xf32>
      %add3A_110 = arith.addf %slice3A_108, %slice3A_109 : vector<2000x4xf32>
      %slice3A_111 = vector.extract_strided_slice %add3A_110 {offsets = [0, 0], sizes = [2000, 2], strides = [1, 1]} : vector<2000x4xf32> to vector<2000x2xf32>
      %slice3A_112 = vector.extract_strided_slice %add3A_110 {offsets = [0, 2], sizes = [2000, 2], strides = [1, 1]} : vector<2000x4xf32> to vector<2000x2xf32>
      %add3A_113 = arith.addf %slice3A_111, %slice3A_112 : vector<2000x2xf32>
      %slice3A_114 = vector.extract_strided_slice %add3A_113 {offsets = [0, 0], sizes = [2000, 1], strides = [1, 1]} : vector<2000x2xf32> to vector<2000x1xf32>
      %slice3A_115 = vector.extract_strided_slice %add3A_113 {offsets = [0, 1], sizes = [2000, 1], strides = [1, 1]} : vector<2000x2xf32> to vector<2000x1xf32>
      %add3A_116 = arith.addf %slice3A_114, %slice3A_115 : vector<2000x1xf32>
      %slice3A_117 = vector.extract_strided_slice %get3A_22 {offsets = [0, 512], sizes = [2000, 128], strides = [1, 1]} : vector<2000x768xf32> to vector<2000x128xf32>
      %slice3A_118 = vector.extract_strided_slice %get3A_22 {offsets = [0, 640], sizes = [2000, 128], strides = [1, 1]} : vector<2000x768xf32> to vector<2000x128xf32>
      %mul3A_119 = arith.mulf %slice3A_117, %slice3A_117 : vector<2000x128xf32>
      %mul3A_120 = arith.mulf %slice3A_118, %slice3A_118 : vector<2000x128xf32>
      %add3A_121 = arith.addf %mul3A_119, %mul3A_120 : vector<2000x128xf32>
      %slice3A_122 = vector.extract_strided_slice %add3A_121 {offsets = [0, 0], sizes = [2000, 8], strides = [1, 1]} : vector<2000x128xf32> to vector<2000x8xf32>
      %slice3A_123 = vector.extract_strided_slice %add3A_121 {offsets = [0, 8], sizes = [2000, 8], strides = [1, 1]} : vector<2000x128xf32> to vector<2000x8xf32>
      %add3A_124 = arith.addf %slice3A_122, %slice3A_123 : vector<2000x8xf32>
      %slice3A_125 = vector.extract_strided_slice %add3A_121 {offsets = [0, 16], sizes = [2000, 8], strides = [1, 1]} : vector<2000x128xf32> to vector<2000x8xf32>
      %add3A_126 = arith.addf %add3A_124, %slice3A_125 : vector<2000x8xf32>
      %slice3A_127 = vector.extract_strided_slice %add3A_121 {offsets = [0, 24], sizes = [2000, 8], strides = [1, 1]} : vector<2000x128xf32> to vector<2000x8xf32>
      %add3A_128 = arith.addf %add3A_126, %slice3A_127 : vector<2000x8xf32>
      %slice3A_129 = vector.extract_strided_slice %add3A_121 {offsets = [0, 32], sizes = [2000, 8], strides = [1, 1]} : vector<2000x128xf32> to vector<2000x8xf32>
      %add3A_130 = arith.addf %add3A_128, %slice3A_129 : vector<2000x8xf32>
      %slice3A_131 = vector.extract_strided_slice %add3A_121 {offsets = [0, 40], sizes = [2000, 8], strides = [1, 1]} : vector<2000x128xf32> to vector<2000x8xf32>
      %add3A_132 = arith.addf %add3A_130, %slice3A_131 : vector<2000x8xf32>
      %slice3A_133 = vector.extract_strided_slice %add3A_121 {offsets = [0, 48], sizes = [2000, 8], strides = [1, 1]} : vector<2000x128xf32> to vector<2000x8xf32>
      %add3A_134 = arith.addf %add3A_132, %slice3A_133 : vector<2000x8xf32>
      %slice3A_135 = vector.extract_strided_slice %add3A_121 {offsets = [0, 56], sizes = [2000, 8], strides = [1, 1]} : vector<2000x128xf32> to vector<2000x8xf32>
      %add3A_136 = arith.addf %add3A_134, %slice3A_135 : vector<2000x8xf32>
      %slice3A_137 = vector.extract_strided_slice %add3A_121 {offsets = [0, 64], sizes = [2000, 8], strides = [1, 1]} : vector<2000x128xf32> to vector<2000x8xf32>
      %add3A_138 = arith.addf %add3A_136, %slice3A_137 : vector<2000x8xf32>
      %slice3A_139 = vector.extract_strided_slice %add3A_121 {offsets = [0, 72], sizes = [2000, 8], strides = [1, 1]} : vector<2000x128xf32> to vector<2000x8xf32>
      %add3A_140 = arith.addf %add3A_138, %slice3A_139 : vector<2000x8xf32>
      %slice3A_141 = vector.extract_strided_slice %add3A_121 {offsets = [0, 80], sizes = [2000, 8], strides = [1, 1]} : vector<2000x128xf32> to vector<2000x8xf32>
      %add3A_142 = arith.addf %add3A_140, %slice3A_141 : vector<2000x8xf32>
      %slice3A_143 = vector.extract_strided_slice %add3A_121 {offsets = [0, 88], sizes = [2000, 8], strides = [1, 1]} : vector<2000x128xf32> to vector<2000x8xf32>
      %add3A_144 = arith.addf %add3A_142, %slice3A_143 : vector<2000x8xf32>
      %slice3A_145 = vector.extract_strided_slice %add3A_121 {offsets = [0, 96], sizes = [2000, 8], strides = [1, 1]} : vector<2000x128xf32> to vector<2000x8xf32>
      %add3A_146 = arith.addf %add3A_144, %slice3A_145 : vector<2000x8xf32>
      %slice3A_147 = vector.extract_strided_slice %add3A_121 {offsets = [0, 104], sizes = [2000, 8], strides = [1, 1]} : vector<2000x128xf32> to vector<2000x8xf32>
      %add3A_148 = arith.addf %add3A_146, %slice3A_147 : vector<2000x8xf32>
      %slice3A_149 = vector.extract_strided_slice %add3A_121 {offsets = [0, 112], sizes = [2000, 8], strides = [1, 1]} : vector<2000x128xf32> to vector<2000x8xf32>
      %add3A_150 = arith.addf %add3A_148, %slice3A_149 : vector<2000x8xf32>
      %slice3A_151 = vector.extract_strided_slice %add3A_121 {offsets = [0, 120], sizes = [2000, 8], strides = [1, 1]} : vector<2000x128xf32> to vector<2000x8xf32>
      %add3A_152 = arith.addf %add3A_150, %slice3A_151 : vector<2000x8xf32>
      %slice3A_153 = vector.extract_strided_slice %add3A_152 {offsets = [0, 0], sizes = [2000, 4], strides = [1, 1]} : vector<2000x8xf32> to vector<2000x4xf32>
      %slice3A_154 = vector.extract_strided_slice %add3A_152 {offsets = [0, 4], sizes = [2000, 4], strides = [1, 1]} : vector<2000x8xf32> to vector<2000x4xf32>
      %add3A_155 = arith.addf %slice3A_153, %slice3A_154 : vector<2000x4xf32>
      %slice3A_156 = vector.extract_strided_slice %add3A_155 {offsets = [0, 0], sizes = [2000, 2], strides = [1, 1]} : vector<2000x4xf32> to vector<2000x2xf32>
      %slice3A_157 = vector.extract_strided_slice %add3A_155 {offsets = [0, 2], sizes = [2000, 2], strides = [1, 1]} : vector<2000x4xf32> to vector<2000x2xf32>
      %add3A_158 = arith.addf %slice3A_156, %slice3A_157 : vector<2000x2xf32>
      %slice3A_159 = vector.extract_strided_slice %add3A_158 {offsets = [0, 0], sizes = [2000, 1], strides = [1, 1]} : vector<2000x2xf32> to vector<2000x1xf32>
      %slice3A_160 = vector.extract_strided_slice %add3A_158 {offsets = [0, 1], sizes = [2000, 1], strides = [1, 1]} : vector<2000x2xf32> to vector<2000x1xf32>
      %add3A_161 = arith.addf %slice3A_159, %slice3A_160 : vector<2000x1xf32>
      %add3A_162 = arith.addf %add3A_71, %add3A_116 : vector<2000x1xf32>
      %add3A_163 = arith.addf %add3A_162, %add3A_161 : vector<2000x1xf32>
      %sqrt3A_164 = math.sqrt %add3A_163 : vector<2000x1xf32>
      %add3A_165 = arith.constant 9.99999993E-9 : f32
      %add3A_166 = vector.broadcast %add3A_165 : f32 to vector<2000x1xf32>
      %add3A_167 = arith.addf %sqrt3A_164, %add3A_166 : vector<2000x1xf32>
      %div3A_168 = vector.broadcast %add3A_167 : vector<2000x1xf32> to vector<2000x768xf32>
      %div3A_169 = arith.divf %get3A_22, %div3A_168 : vector<2000x768xf32>
      %dot_general3A = arith.constant dense<0.000000e+00> : vector<8x2000xf32>
      %dot_general3A_170 = tpu.matmul %div3A_5, %div3A_169, %dot_general3A {dimension_numbers = #tpu.dot_dimension_numbers<[1], [1], [0], [0], [0, 0, 1, 0], [], []>, transpose_lhs_hint = false} : vector<8x768xf32>, vector<2000x768xf32>, vector<8x2000xf32> -> vector<8x2000xf32>
      %add3A_171 = vector.broadcast %get3A_27 : vector<1x2000xf32> to vector<8x2000xf32>
      %add3A_172 = arith.addf %dot_general3A_170, %add3A_171 : vector<8x2000xf32>
      %broadcast_in_dim3A_173 = arith.constant -3.000000e+38 : f32
      %broadcast_in_dim3A_174 = vector.broadcast %broadcast_in_dim3A_173 : f32 to vector<8x16xf32>
      %broadcast_in_dim3A_175 = arith.constant 1073741824 : i32
      %broadcast_in_dim3A_176 = vector.broadcast %broadcast_in_dim3A_175 : i32 to vector<8x16xi32>
      %scan3A = arith.constant 0 : i32
      %scan3A_177 = arith.constant 0 : i32
      %scan3A_178 = arith.constant 16 : i32
      %scan3A_179 = arith.addi %scan3A_177, %scan3A_178 : i32
      %scan3A_180 = arith.constant 1 : i32
      %scan3A_181:4 = scf.for %scan3A_208 = %scan3A_177 to %scan3A_179 step %scan3A_180 iter_args(%scan3A_209 = %add3A_172, %scan3A_210 = %broadcast_in_dim3A_174, %scan3A_211 = %broadcast_in_dim3A_176, %scan3A_212 = %scan3A) -> (vector<8x2000xf32>, vector<8x16xf32>, vector<8x16xi32>, i32)  : i32 {
        %reduce_max3A = arith.constant dense<0xFF800000> : vector<8xf32>
        %reduce_max3A_213 = vector.multi_reduction <maximumf>, %scan3A_209, %reduce_max3A [1] : vector<8x2000xf32> to vector<8xf32>
        %broadcast_in_dim3A_214 = vector.shape_cast %reduce_max3A_213 : vector<8xf32> to vector<8x1xf32>
        %eq3A_215 = vector.broadcast %broadcast_in_dim3A_214 : vector<8x1xf32> to vector<8x2000xf32>
        %eq3A_216 = arith.cmpf oeq, %scan3A_209, %eq3A_215 : vector<8x2000xf32>
        %jit3A_217 = arith.constant 1073741824 : i32
        %broadcast_in_dim3A_218 = vector.broadcast %jit3A_217 : i32 to vector<8x2000xi32>
        %select_n3A_219 = arith.select %eq3A_216, %add3A_19, %broadcast_in_dim3A_218 : vector<8x2000xi1>, vector<8x2000xi32>
        %reduce_min3A = arith.constant dense<2147483647> : vector<8xi32>
        %reduce_min3A_220 = vector.multi_reduction <minsi>, %select_n3A_219, %reduce_min3A [1] : vector<8x2000xi32> to vector<8xi32>
        %broadcast_in_dim3A_221 = vector.shape_cast %reduce_min3A_220 : vector<8xi32> to vector<8x1xi32>
        %eq3A_222 = vector.broadcast %broadcast_in_dim3A_221 : vector<8x1xi32> to vector<8x2000xi32>
        %eq3A_223 = arith.cmpi eq, %add3A_19, %eq3A_222 : vector<8x2000xi32>
        %jit3A_224 = arith.constant -3.000000e+38 : f32
        %broadcast_in_dim3A_225 = vector.broadcast %jit3A_224 : f32 to vector<8x2000xf32>
        %select_n3A_226 = arith.select %eq3A_223, %broadcast_in_dim3A_225, %scan3A_209 : vector<8x2000xi1>, vector<8x2000xf32>
        %iota3A_227 = tpu.iota {dimensions = array<i32: 1>} : vector<8x16xi32>
        %eq3A_228 = vector.broadcast %scan3A_212 : i32 to vector<8x16xi32>
        %eq3A_229 = arith.cmpi eq, %iota3A_227, %eq3A_228 : vector<8x16xi32>
        %broadcast_in_dim3A_230 = vector.shape_cast %broadcast_in_dim3A_214 : vector<8x1xf32> to vector<8x1xf32>
        %broadcast_in_dim3A_231 = vector.broadcast %broadcast_in_dim3A_230 : vector<8x1xf32> to vector<8x16xf32>
        %select_n3A_232 = arith.select %eq3A_229, %broadcast_in_dim3A_231, %scan3A_210 : vector<8x16xi1>, vector<8x16xf32>
        %iota3A_233 = tpu.iota {dimensions = array<i32: 1>} : vector<8x16xi32>
        %eq3A_234 = vector.broadcast %scan3A_212 : i32 to vector<8x16xi32>
        %eq3A_235 = arith.cmpi eq, %iota3A_233, %eq3A_234 : vector<8x16xi32>
        %broadcast_in_dim3A_236 = vector.shape_cast %broadcast_in_dim3A_221 : vector<8x1xi32> to vector<8x1xi32>
        %broadcast_in_dim3A_237 = vector.broadcast %broadcast_in_dim3A_236 : vector<8x1xi32> to vector<8x16xi32>
        %select_n3A_238 = arith.select %eq3A_235, %broadcast_in_dim3A_237, %scan3A_211 : vector<8x16xi1>, vector<8x16xi32>
        %add3A_239 = arith.constant 1 : i32
        %add3A_240 = arith.addi %scan3A_212, %add3A_239 : i32
        scf.yield %select_n3A_226, %select_n3A_232, %select_n3A_238, %add3A_240 : vector<8x2000xf32>, vector<8x16xf32>, vector<8x16xi32>, i32
      }
      %iota3A_182 = tpu.iota {dimensions = array<i32: 1>} : vector<8x128xi32>
      %lt3A_183 = arith.constant 16 : i32
      %lt3A_184 = vector.broadcast %lt3A_183 : i32 to vector<8x128xi32>
      %lt3A_185 = arith.cmpi slt, %iota3A_182, %lt3A_184 : vector<8x128xi32>
      %jit3A = arith.constant 0 : i32
      %convert_element_type3A_186 = arith.sitofp %jit3A : i32 to f32
      %pad3A = vector.broadcast %convert_element_type3A_186 : f32 to vector<8x112xf32>
      %pad3A_187 = tpu.concatenate %scan3A_181#1, %pad3A in 1 : vector<8x16xf32>, vector<8x112xf32> -> vector<8x128xf32>
      %jit3A_188 = arith.constant -3.000000e+38 : f32
      %broadcast_in_dim3A_189 = vector.broadcast %jit3A_188 : f32 to vector<8x128xf32>
      %select_n3A = arith.select %lt3A_185, %pad3A_187, %broadcast_in_dim3A_189 : vector<8x128xi1>, vector<8x128xf32>
      %lt3A_190 = arith.constant 16 : i32
      %lt3A_191 = vector.broadcast %lt3A_190 : i32 to vector<8x128xi32>
      %lt3A_192 = arith.cmpi slt, %iota3A_182, %lt3A_191 : vector<8x128xi32>
      %jit3A_193 = arith.constant 0 : i32
      %pad3A_194 = vector.broadcast %jit3A_193 : i32 to vector<8x112xi32>
      %pad3A_195 = tpu.concatenate %scan3A_181#2, %pad3A_194 in 1 : vector<8x16xi32>, vector<8x112xi32> -> vector<8x128xi32>
      %jit3A_196 = arith.constant 1073741824 : i32
      %broadcast_in_dim3A_197 = vector.broadcast %jit3A_196 : i32 to vector<8x128xi32>
      %select_n3A_198 = arith.select %lt3A_192, %pad3A_195, %broadcast_in_dim3A_197 : vector<8x128xi1>, vector<8x128xi32>
      %mul3A_199 = arith.constant 128 : i32
      %mul3A_200 = arith.muli %arg0, %mul3A_199 : i32
      %swap3A = arith.constant 0 : index
      %swap3A_201 = arith.index_cast %mul3A_200 : i32 to index
      %swap3A_202 = vector.load %arg9[%swap3A, %swap3A_201] : memref<8x6656xf32, #tpu.memory_space<vmem>>, vector<8x128xf32>
      tpu.vector_store %arg9[%swap3A, %swap3A_201], %select_n3A {strides = array<i32>} : memref<8x6656xf32, #tpu.memory_space<vmem>>, vector<8x128xf32>,
      %mul3A_203 = arith.constant 128 : i32
      %mul3A_204 = arith.muli %arg0, %mul3A_203 : i32
      %swap3A_205 = arith.constant 0 : index
      %swap3A_206 = arith.index_cast %mul3A_204 : i32 to index
      %swap3A_207 = vector.load %arg10[%swap3A_205, %swap3A_206] : memref<8x6656xi32, #tpu.memory_space<vmem>>, vector<8x128xi32>
      tpu.vector_store %arg10[%swap3A_205, %swap3A_206], %select_n3A_198 {strides = array<i32>} : memref<8x6656xi32, #tpu.memory_space<vmem>>, vector<8x128xi32>,
    } else {
    }
    %ge3A = arith.constant 50 : i32
    %ge3A_8 = arith.cmpi sge, %arg0, %ge3A : i32
    %convert_element_type3A_9 = arith.extui %ge3A_8 : i1 to i32
    %cond3A_10 = arith.constant 0 : i32
    %cond3A_11 = arith.cmpi ne, %convert_element_type3A_9, %cond3A_10 : i32
    scf.if %cond3A_11 {
      %get3A_16 = arith.constant 0 : index
      %get3A_17 = arith.constant 0 : index
      %get3A_18 = arith.constant 0 : index
      %get3A_19 = vector.load %arg5[%get3A_16, %get3A_17, %get3A_18] : memref<1x1x2048xi32, #tpu.memory_space<vmem>>, vector<1x1x2048xi32>
      %get3A_20 = vector.shape_cast %get3A_19 : vector<1x1x2048xi32> to vector<1x2048xi32>
      %broadcast_in_dim3A_21 = vector.shape_cast %get3A_20 : vector<1x2048xi32> to vector<1x2048xi32>
      %broadcast_in_dim3A_22 = vector.broadcast %broadcast_in_dim3A_21 : vector<1x2048xi32> to vector<8x2048xi32>
      %get3A_23 = arith.constant 0 : index
      %get3A_24 = arith.constant 0 : index
      %get3A_25 = vector.load %arg2[%get3A_23, %get3A_24] : memref<2048x768xf32, #tpu.memory_space<vmem>>, vector<2048x768xf32>
      %get3A_26 = arith.constant 0 : index
      %get3A_27 = arith.constant 0 : index
      %get3A_28 = arith.constant 0 : index
      %get3A_29 = vector.load %arg6[%get3A_26, %get3A_27, %get3A_28] : memref<1x1x2048xf32, #tpu.memory_space<vmem>>, vector<1x1x2048xf32>
      %get3A_30 = vector.shape_cast %get3A_29 : vector<1x1x2048xf32> to vector<1x2048xf32>
      %slice3A = vector.extract_strided_slice %get3A_25 {offsets = [0, 0], sizes = [2048, 128], strides = [1, 1]} : vector<2048x768xf32> to vector<2048x128xf32>
      %slice3A_31 = vector.extract_strided_slice %get3A_25 {offsets = [0, 128], sizes = [2048, 128], strides = [1, 1]} : vector<2048x768xf32> to vector<2048x128xf32>
      %mul3A_32 = arith.mulf %slice3A, %slice3A : vector<2048x128xf32>
      %mul3A_33 = arith.mulf %slice3A_31, %slice3A_31 : vector<2048x128xf32>
      %add3A_34 = arith.addf %mul3A_32, %mul3A_33 : vector<2048x128xf32>
      %slice3A_35 = vector.extract_strided_slice %add3A_34 {offsets = [0, 0], sizes = [2048, 8], strides = [1, 1]} : vector<2048x128xf32> to vector<2048x8xf32>
      %slice3A_36 = vector.extract_strided_slice %add3A_34 {offsets = [0, 8], sizes = [2048, 8], strides = [1, 1]} : vector<2048x128xf32> to vector<2048x8xf32>
      %add3A_37 = arith.addf %slice3A_35, %slice3A_36 : vector<2048x8xf32>
      %slice3A_38 = vector.extract_strided_slice %add3A_34 {offsets = [0, 16], sizes = [2048, 8], strides = [1, 1]} : vector<2048x128xf32> to vector<2048x8xf32>
      %add3A_39 = arith.addf %add3A_37, %slice3A_38 : vector<2048x8xf32>
      %slice3A_40 = vector.extract_strided_slice %add3A_34 {offsets = [0, 24], sizes = [2048, 8], strides = [1, 1]} : vector<2048x128xf32> to vector<2048x8xf32>
      %add3A_41 = arith.addf %add3A_39, %slice3A_40 : vector<2048x8xf32>
      %slice3A_42 = vector.extract_strided_slice %add3A_34 {offsets = [0, 32], sizes = [2048, 8], strides = [1, 1]} : vector<2048x128xf32> to vector<2048x8xf32>
      %add3A_43 = arith.addf %add3A_41, %slice3A_42 : vector<2048x8xf32>
      %slice3A_44 = vector.extract_strided_slice %add3A_34 {offsets = [0, 40], sizes = [2048, 8], strides = [1, 1]} : vector<2048x128xf32> to vector<2048x8xf32>
      %add3A_45 = arith.addf %add3A_43, %slice3A_44 : vector<2048x8xf32>
      %slice3A_46 = vector.extract_strided_slice %add3A_34 {offsets = [0, 48], sizes = [2048, 8], strides = [1, 1]} : vector<2048x128xf32> to vector<2048x8xf32>
      %add3A_47 = arith.addf %add3A_45, %slice3A_46 : vector<2048x8xf32>
      %slice3A_48 = vector.extract_strided_slice %add3A_34 {offsets = [0, 56], sizes = [2048, 8], strides = [1, 1]} : vector<2048x128xf32> to vector<2048x8xf32>
      %add3A_49 = arith.addf %add3A_47, %slice3A_48 : vector<2048x8xf32>
      %slice3A_50 = vector.extract_strided_slice %add3A_34 {offsets = [0, 64], sizes = [2048, 8], strides = [1, 1]} : vector<2048x128xf32> to vector<2048x8xf32>
      %add3A_51 = arith.addf %add3A_49, %slice3A_50 : vector<2048x8xf32>
      %slice3A_52 = vector.extract_strided_slice %add3A_34 {offsets = [0, 72], sizes = [2048, 8], strides = [1, 1]} : vector<2048x128xf32> to vector<2048x8xf32>
      %add3A_53 = arith.addf %add3A_51, %slice3A_52 : vector<2048x8xf32>
      %slice3A_54 = vector.extract_strided_slice %add3A_34 {offsets = [0, 80], sizes = [2048, 8], strides = [1, 1]} : vector<2048x128xf32> to vector<2048x8xf32>
      %add3A_55 = arith.addf %add3A_53, %slice3A_54 : vector<2048x8xf32>
      %slice3A_56 = vector.extract_strided_slice %add3A_34 {offsets = [0, 88], sizes = [2048, 8], strides = [1, 1]} : vector<2048x128xf32> to vector<2048x8xf32>
      %add3A_57 = arith.addf %add3A_55, %slice3A_56 : vector<2048x8xf32>
      %slice3A_58 = vector.extract_strided_slice %add3A_34 {offsets = [0, 96], sizes = [2048, 8], strides = [1, 1]} : vector<2048x128xf32> to vector<2048x8xf32>
      %add3A_59 = arith.addf %add3A_57, %slice3A_58 : vector<2048x8xf32>
      %slice3A_60 = vector.extract_strided_slice %add3A_34 {offsets = [0, 104], sizes = [2048, 8], strides = [1, 1]} : vector<2048x128xf32> to vector<2048x8xf32>
      %add3A_61 = arith.addf %add3A_59, %slice3A_60 : vector<2048x8xf32>
      %slice3A_62 = vector.extract_strided_slice %add3A_34 {offsets = [0, 112], sizes = [2048, 8], strides = [1, 1]} : vector<2048x128xf32> to vector<2048x8xf32>
      %add3A_63 = arith.addf %add3A_61, %slice3A_62 : vector<2048x8xf32>
      %slice3A_64 = vector.extract_strided_slice %add3A_34 {offsets = [0, 120], sizes = [2048, 8], strides = [1, 1]} : vector<2048x128xf32> to vector<2048x8xf32>
      %add3A_65 = arith.addf %add3A_63, %slice3A_64 : vector<2048x8xf32>
      %slice3A_66 = vector.extract_strided_slice %add3A_65 {offsets = [0, 0], sizes = [2048, 4], strides = [1, 1]} : vector<2048x8xf32> to vector<2048x4xf32>
      %slice3A_67 = vector.extract_strided_slice %add3A_65 {offsets = [0, 4], sizes = [2048, 4], strides = [1, 1]} : vector<2048x8xf32> to vector<2048x4xf32>
      %add3A_68 = arith.addf %slice3A_66, %slice3A_67 : vector<2048x4xf32>
      %slice3A_69 = vector.extract_strided_slice %add3A_68 {offsets = [0, 0], sizes = [2048, 2], strides = [1, 1]} : vector<2048x4xf32> to vector<2048x2xf32>
      %slice3A_70 = vector.extract_strided_slice %add3A_68 {offsets = [0, 2], sizes = [2048, 2], strides = [1, 1]} : vector<2048x4xf32> to vector<2048x2xf32>
      %add3A_71 = arith.addf %slice3A_69, %slice3A_70 : vector<2048x2xf32>
      %slice3A_72 = vector.extract_strided_slice %add3A_71 {offsets = [0, 0], sizes = [2048, 1], strides = [1, 1]} : vector<2048x2xf32> to vector<2048x1xf32>
      %slice3A_73 = vector.extract_strided_slice %add3A_71 {offsets = [0, 1], sizes = [2048, 1], strides = [1, 1]} : vector<2048x2xf32> to vector<2048x1xf32>
      %add3A_74 = arith.addf %slice3A_72, %slice3A_73 : vector<2048x1xf32>
      %slice3A_75 = vector.extract_strided_slice %get3A_25 {offsets = [0, 256], sizes = [2048, 128], strides = [1, 1]} : vector<2048x768xf32> to vector<2048x128xf32>
      %slice3A_76 = vector.extract_strided_slice %get3A_25 {offsets = [0, 384], sizes = [2048, 128], strides = [1, 1]} : vector<2048x768xf32> to vector<2048x128xf32>
      %mul3A_77 = arith.mulf %slice3A_75, %slice3A_75 : vector<2048x128xf32>
      %mul3A_78 = arith.mulf %slice3A_76, %slice3A_76 : vector<2048x128xf32>
      %add3A_79 = arith.addf %mul3A_77, %mul3A_78 : vector<2048x128xf32>
      %slice3A_80 = vector.extract_strided_slice %add3A_79 {offsets = [0, 0], sizes = [2048, 8], strides = [1, 1]} : vector<2048x128xf32> to vector<2048x8xf32>
      %slice3A_81 = vector.extract_strided_slice %add3A_79 {offsets = [0, 8], sizes = [2048, 8], strides = [1, 1]} : vector<2048x128xf32> to vector<2048x8xf32>
      %add3A_82 = arith.addf %slice3A_80, %slice3A_81 : vector<2048x8xf32>
      %slice3A_83 = vector.extract_strided_slice %add3A_79 {offsets = [0, 16], sizes = [2048, 8], strides = [1, 1]} : vector<2048x128xf32> to vector<2048x8xf32>
      %add3A_84 = arith.addf %add3A_82, %slice3A_83 : vector<2048x8xf32>
      %slice3A_85 = vector.extract_strided_slice %add3A_79 {offsets = [0, 24], sizes = [2048, 8], strides = [1, 1]} : vector<2048x128xf32> to vector<2048x8xf32>
      %add3A_86 = arith.addf %add3A_84, %slice3A_85 : vector<2048x8xf32>
      %slice3A_87 = vector.extract_strided_slice %add3A_79 {offsets = [0, 32], sizes = [2048, 8], strides = [1, 1]} : vector<2048x128xf32> to vector<2048x8xf32>
      %add3A_88 = arith.addf %add3A_86, %slice3A_87 : vector<2048x8xf32>
      %slice3A_89 = vector.extract_strided_slice %add3A_79 {offsets = [0, 40], sizes = [2048, 8], strides = [1, 1]} : vector<2048x128xf32> to vector<2048x8xf32>
      %add3A_90 = arith.addf %add3A_88, %slice3A_89 : vector<2048x8xf32>
      %slice3A_91 = vector.extract_strided_slice %add3A_79 {offsets = [0, 48], sizes = [2048, 8], strides = [1, 1]} : vector<2048x128xf32> to vector<2048x8xf32>
      %add3A_92 = arith.addf %add3A_90, %slice3A_91 : vector<2048x8xf32>
      %slice3A_93 = vector.extract_strided_slice %add3A_79 {offsets = [0, 56], sizes = [2048, 8], strides = [1, 1]} : vector<2048x128xf32> to vector<2048x8xf32>
      %add3A_94 = arith.addf %add3A_92, %slice3A_93 : vector<2048x8xf32>
      %slice3A_95 = vector.extract_strided_slice %add3A_79 {offsets = [0, 64], sizes = [2048, 8], strides = [1, 1]} : vector<2048x128xf32> to vector<2048x8xf32>
      %add3A_96 = arith.addf %add3A_94, %slice3A_95 : vector<2048x8xf32>
      %slice3A_97 = vector.extract_strided_slice %add3A_79 {offsets = [0, 72], sizes = [2048, 8], strides = [1, 1]} : vector<2048x128xf32> to vector<2048x8xf32>
      %add3A_98 = arith.addf %add3A_96, %slice3A_97 : vector<2048x8xf32>
      %slice3A_99 = vector.extract_strided_slice %add3A_79 {offsets = [0, 80], sizes = [2048, 8], strides = [1, 1]} : vector<2048x128xf32> to vector<2048x8xf32>
      %add3A_100 = arith.addf %add3A_98, %slice3A_99 : vector<2048x8xf32>
      %slice3A_101 = vector.extract_strided_slice %add3A_79 {offsets = [0, 88], sizes = [2048, 8], strides = [1, 1]} : vector<2048x128xf32> to vector<2048x8xf32>
      %add3A_102 = arith.addf %add3A_100, %slice3A_101 : vector<2048x8xf32>
      %slice3A_103 = vector.extract_strided_slice %add3A_79 {offsets = [0, 96], sizes = [2048, 8], strides = [1, 1]} : vector<2048x128xf32> to vector<2048x8xf32>
      %add3A_104 = arith.addf %add3A_102, %slice3A_103 : vector<2048x8xf32>
      %slice3A_105 = vector.extract_strided_slice %add3A_79 {offsets = [0, 104], sizes = [2048, 8], strides = [1, 1]} : vector<2048x128xf32> to vector<2048x8xf32>
      %add3A_106 = arith.addf %add3A_104, %slice3A_105 : vector<2048x8xf32>
      %slice3A_107 = vector.extract_strided_slice %add3A_79 {offsets = [0, 112], sizes = [2048, 8], strides = [1, 1]} : vector<2048x128xf32> to vector<2048x8xf32>
      %add3A_108 = arith.addf %add3A_106, %slice3A_107 : vector<2048x8xf32>
      %slice3A_109 = vector.extract_strided_slice %add3A_79 {offsets = [0, 120], sizes = [2048, 8], strides = [1, 1]} : vector<2048x128xf32> to vector<2048x8xf32>
      %add3A_110 = arith.addf %add3A_108, %slice3A_109 : vector<2048x8xf32>
      %slice3A_111 = vector.extract_strided_slice %add3A_110 {offsets = [0, 0], sizes = [2048, 4], strides = [1, 1]} : vector<2048x8xf32> to vector<2048x4xf32>
      %slice3A_112 = vector.extract_strided_slice %add3A_110 {offsets = [0, 4], sizes = [2048, 4], strides = [1, 1]} : vector<2048x8xf32> to vector<2048x4xf32>
      %add3A_113 = arith.addf %slice3A_111, %slice3A_112 : vector<2048x4xf32>
      %slice3A_114 = vector.extract_strided_slice %add3A_113 {offsets = [0, 0], sizes = [2048, 2], strides = [1, 1]} : vector<2048x4xf32> to vector<2048x2xf32>
      %slice3A_115 = vector.extract_strided_slice %add3A_113 {offsets = [0, 2], sizes = [2048, 2], strides = [1, 1]} : vector<2048x4xf32> to vector<2048x2xf32>
      %add3A_116 = arith.addf %slice3A_114, %slice3A_115 : vector<2048x2xf32>
      %slice3A_117 = vector.extract_strided_slice %add3A_116 {offsets = [0, 0], sizes = [2048, 1], strides = [1, 1]} : vector<2048x2xf32> to vector<2048x1xf32>
      %slice3A_118 = vector.extract_strided_slice %add3A_116 {offsets = [0, 1], sizes = [2048, 1], strides = [1, 1]} : vector<2048x2xf32> to vector<2048x1xf32>
      %add3A_119 = arith.addf %slice3A_117, %slice3A_118 : vector<2048x1xf32>
      %slice3A_120 = vector.extract_strided_slice %get3A_25 {offsets = [0, 512], sizes = [2048, 128], strides = [1, 1]} : vector<2048x768xf32> to vector<2048x128xf32>
      %slice3A_121 = vector.extract_strided_slice %get3A_25 {offsets = [0, 640], sizes = [2048, 128], strides = [1, 1]} : vector<2048x768xf32> to vector<2048x128xf32>
      %mul3A_122 = arith.mulf %slice3A_120, %slice3A_120 : vector<2048x128xf32>
      %mul3A_123 = arith.mulf %slice3A_121, %slice3A_121 : vector<2048x128xf32>
      %add3A_124 = arith.addf %mul3A_122, %mul3A_123 : vector<2048x128xf32>
      %slice3A_125 = vector.extract_strided_slice %add3A_124 {offsets = [0, 0], sizes = [2048, 8], strides = [1, 1]} : vector<2048x128xf32> to vector<2048x8xf32>
      %slice3A_126 = vector.extract_strided_slice %add3A_124 {offsets = [0, 8], sizes = [2048, 8], strides = [1, 1]} : vector<2048x128xf32> to vector<2048x8xf32>
      %add3A_127 = arith.addf %slice3A_125, %slice3A_126 : vector<2048x8xf32>
      %slice3A_128 = vector.extract_strided_slice %add3A_124 {offsets = [0, 16], sizes = [2048, 8], strides = [1, 1]} : vector<2048x128xf32> to vector<2048x8xf32>
      %add3A_129 = arith.addf %add3A_127, %slice3A_128 : vector<2048x8xf32>
      %slice3A_130 = vector.extract_strided_slice %add3A_124 {offsets = [0, 24], sizes = [2048, 8], strides = [1, 1]} : vector<2048x128xf32> to vector<2048x8xf32>
      %add3A_131 = arith.addf %add3A_129, %slice3A_130 : vector<2048x8xf32>
      %slice3A_132 = vector.extract_strided_slice %add3A_124 {offsets = [0, 32], sizes = [2048, 8], strides = [1, 1]} : vector<2048x128xf32> to vector<2048x8xf32>
      %add3A_133 = arith.addf %add3A_131, %slice3A_132 : vector<2048x8xf32>
      %slice3A_134 = vector.extract_strided_slice %add3A_124 {offsets = [0, 40], sizes = [2048, 8], strides = [1, 1]} : vector<2048x128xf32> to vector<2048x8xf32>
      %add3A_135 = arith.addf %add3A_133, %slice3A_134 : vector<2048x8xf32>
      %slice3A_136 = vector.extract_strided_slice %add3A_124 {offsets = [0, 48], sizes = [2048, 8], strides = [1, 1]} : vector<2048x128xf32> to vector<2048x8xf32>
      %add3A_137 = arith.addf %add3A_135, %slice3A_136 : vector<2048x8xf32>
      %slice3A_138 = vector.extract_strided_slice %add3A_124 {offsets = [0, 56], sizes = [2048, 8], strides = [1, 1]} : vector<2048x128xf32> to vector<2048x8xf32>
      %add3A_139 = arith.addf %add3A_137, %slice3A_138 : vector<2048x8xf32>
      %slice3A_140 = vector.extract_strided_slice %add3A_124 {offsets = [0, 64], sizes = [2048, 8], strides = [1, 1]} : vector<2048x128xf32> to vector<2048x8xf32>
      %add3A_141 = arith.addf %add3A_139, %slice3A_140 : vector<2048x8xf32>
      %slice3A_142 = vector.extract_strided_slice %add3A_124 {offsets = [0, 72], sizes = [2048, 8], strides = [1, 1]} : vector<2048x128xf32> to vector<2048x8xf32>
      %add3A_143 = arith.addf %add3A_141, %slice3A_142 : vector<2048x8xf32>
      %slice3A_144 = vector.extract_strided_slice %add3A_124 {offsets = [0, 80], sizes = [2048, 8], strides = [1, 1]} : vector<2048x128xf32> to vector<2048x8xf32>
      %add3A_145 = arith.addf %add3A_143, %slice3A_144 : vector<2048x8xf32>
      %slice3A_146 = vector.extract_strided_slice %add3A_124 {offsets = [0, 88], sizes = [2048, 8], strides = [1, 1]} : vector<2048x128xf32> to vector<2048x8xf32>
      %add3A_147 = arith.addf %add3A_145, %slice3A_146 : vector<2048x8xf32>
      %slice3A_148 = vector.extract_strided_slice %add3A_124 {offsets = [0, 96], sizes = [2048, 8], strides = [1, 1]} : vector<2048x128xf32> to vector<2048x8xf32>
      %add3A_149 = arith.addf %add3A_147, %slice3A_148 : vector<2048x8xf32>
      %slice3A_150 = vector.extract_strided_slice %add3A_124 {offsets = [0, 104], sizes = [2048, 8], strides = [1, 1]} : vector<2048x128xf32> to vector<2048x8xf32>
      %add3A_151 = arith.addf %add3A_149, %slice3A_150 : vector<2048x8xf32>
      %slice3A_152 = vector.extract_strided_slice %add3A_124 {offsets = [0, 112], sizes = [2048, 8], strides = [1, 1]} : vector<2048x128xf32> to vector<2048x8xf32>
      %add3A_153 = arith.addf %add3A_151, %slice3A_152 : vector<2048x8xf32>
      %slice3A_154 = vector.extract_strided_slice %add3A_124 {offsets = [0, 120], sizes = [2048, 8], strides = [1, 1]} : vector<2048x128xf32> to vector<2048x8xf32>
      %add3A_155 = arith.addf %add3A_153, %slice3A_154 : vector<2048x8xf32>
      %slice3A_156 = vector.extract_strided_slice %add3A_155 {offsets = [0, 0], sizes = [2048, 4], strides = [1, 1]} : vector<2048x8xf32> to vector<2048x4xf32>
      %slice3A_157 = vector.extract_strided_slice %add3A_155 {offsets = [0, 4], sizes = [2048, 4], strides = [1, 1]} : vector<2048x8xf32> to vector<2048x4xf32>
      %add3A_158 = arith.addf %slice3A_156, %slice3A_157 : vector<2048x4xf32>
      %slice3A_159 = vector.extract_strided_slice %add3A_158 {offsets = [0, 0], sizes = [2048, 2], strides = [1, 1]} : vector<2048x4xf32> to vector<2048x2xf32>
      %slice3A_160 = vector.extract_strided_slice %add3A_158 {offsets = [0, 2], sizes = [2048, 2], strides = [1, 1]} : vector<2048x4xf32> to vector<2048x2xf32>
      %add3A_161 = arith.addf %slice3A_159, %slice3A_160 : vector<2048x2xf32>
      %slice3A_162 = vector.extract_strided_slice %add3A_161 {offsets = [0, 0], sizes = [2048, 1], strides = [1, 1]} : vector<2048x2xf32> to vector<2048x1xf32>
      %slice3A_163 = vector.extract_strided_slice %add3A_161 {offsets = [0, 1], sizes = [2048, 1], strides = [1, 1]} : vector<2048x2xf32> to vector<2048x1xf32>
      %add3A_164 = arith.addf %slice3A_162, %slice3A_163 : vector<2048x1xf32>
      %add3A_165 = arith.addf %add3A_74, %add3A_119 : vector<2048x1xf32>
      %add3A_166 = arith.addf %add3A_165, %add3A_164 : vector<2048x1xf32>
      %sqrt3A_167 = math.sqrt %add3A_166 : vector<2048x1xf32>
      %add3A_168 = arith.constant 9.99999993E-9 : f32
      %add3A_169 = vector.broadcast %add3A_168 : f32 to vector<2048x1xf32>
      %add3A_170 = arith.addf %sqrt3A_167, %add3A_169 : vector<2048x1xf32>
      %div3A_171 = vector.broadcast %add3A_170 : vector<2048x1xf32> to vector<2048x768xf32>
      %div3A_172 = arith.divf %get3A_25, %div3A_171 : vector<2048x768xf32>
      %dot_general3A = arith.constant dense<0.000000e+00> : vector<8x2048xf32>
      %dot_general3A_173 = tpu.matmul %div3A_5, %div3A_172, %dot_general3A {dimension_numbers = #tpu.dot_dimension_numbers<[1], [1], [0], [0], [0, 0, 1, 0], [], []>, transpose_lhs_hint = false} : vector<8x768xf32>, vector<2048x768xf32>, vector<8x2048xf32> -> vector<8x2048xf32>
      %add3A_174 = vector.broadcast %get3A_30 : vector<1x2048xf32> to vector<8x2048xf32>
      %add3A_175 = arith.addf %dot_general3A_173, %add3A_174 : vector<8x2048xf32>
      %broadcast_in_dim3A_176 = arith.constant -3.000000e+38 : f32
      %broadcast_in_dim3A_177 = vector.broadcast %broadcast_in_dim3A_176 : f32 to vector<8x16xf32>
      %broadcast_in_dim3A_178 = arith.constant 1073741824 : i32
      %broadcast_in_dim3A_179 = vector.broadcast %broadcast_in_dim3A_178 : i32 to vector<8x16xi32>
      %scan3A = arith.constant 0 : i32
      %scan3A_180 = arith.constant 0 : i32
      %scan3A_181 = arith.constant 16 : i32
      %scan3A_182 = arith.addi %scan3A_180, %scan3A_181 : i32
      %scan3A_183 = arith.constant 1 : i32
      %scan3A_184:4 = scf.for %scan3A_210 = %scan3A_180 to %scan3A_182 step %scan3A_183 iter_args(%scan3A_211 = %add3A_175, %scan3A_212 = %broadcast_in_dim3A_177, %scan3A_213 = %broadcast_in_dim3A_179, %scan3A_214 = %scan3A) -> (vector<8x2048xf32>, vector<8x16xf32>, vector<8x16xi32>, i32)  : i32 {
        %reduce_max3A = arith.constant dense<0xFF800000> : vector<8xf32>
        %reduce_max3A_215 = vector.multi_reduction <maximumf>, %scan3A_211, %reduce_max3A [1] : vector<8x2048xf32> to vector<8xf32>
        %broadcast_in_dim3A_216 = vector.shape_cast %reduce_max3A_215 : vector<8xf32> to vector<8x1xf32>
        %eq3A_217 = vector.broadcast %broadcast_in_dim3A_216 : vector<8x1xf32> to vector<8x2048xf32>
        %eq3A_218 = arith.cmpf oeq, %scan3A_211, %eq3A_217 : vector<8x2048xf32>
        %jit3A_219 = arith.constant 1073741824 : i32
        %broadcast_in_dim3A_220 = vector.broadcast %jit3A_219 : i32 to vector<8x2048xi32>
        %select_n3A_221 = arith.select %eq3A_218, %broadcast_in_dim3A_22, %broadcast_in_dim3A_220 : vector<8x2048xi1>, vector<8x2048xi32>
        %reduce_min3A = arith.constant dense<2147483647> : vector<8xi32>
        %reduce_min3A_222 = vector.multi_reduction <minsi>, %select_n3A_221, %reduce_min3A [1] : vector<8x2048xi32> to vector<8xi32>
        %broadcast_in_dim3A_223 = vector.shape_cast %reduce_min3A_222 : vector<8xi32> to vector<8x1xi32>
        %eq3A_224 = vector.broadcast %broadcast_in_dim3A_223 : vector<8x1xi32> to vector<8x2048xi32>
        %eq3A_225 = arith.cmpi eq, %broadcast_in_dim3A_22, %eq3A_224 : vector<8x2048xi32>
        %jit3A_226 = arith.constant -3.000000e+38 : f32
        %broadcast_in_dim3A_227 = vector.broadcast %jit3A_226 : f32 to vector<8x2048xf32>
        %select_n3A_228 = arith.select %eq3A_225, %broadcast_in_dim3A_227, %scan3A_211 : vector<8x2048xi1>, vector<8x2048xf32>
        %iota3A_229 = tpu.iota {dimensions = array<i32: 1>} : vector<8x16xi32>
        %eq3A_230 = vector.broadcast %scan3A_214 : i32 to vector<8x16xi32>
        %eq3A_231 = arith.cmpi eq, %iota3A_229, %eq3A_230 : vector<8x16xi32>
        %broadcast_in_dim3A_232 = vector.shape_cast %broadcast_in_dim3A_216 : vector<8x1xf32> to vector<8x1xf32>
        %broadcast_in_dim3A_233 = vector.broadcast %broadcast_in_dim3A_232 : vector<8x1xf32> to vector<8x16xf32>
        %select_n3A_234 = arith.select %eq3A_231, %broadcast_in_dim3A_233, %scan3A_212 : vector<8x16xi1>, vector<8x16xf32>
        %iota3A_235 = tpu.iota {dimensions = array<i32: 1>} : vector<8x16xi32>
        %eq3A_236 = vector.broadcast %scan3A_214 : i32 to vector<8x16xi32>
        %eq3A_237 = arith.cmpi eq, %iota3A_235, %eq3A_236 : vector<8x16xi32>
        %broadcast_in_dim3A_238 = vector.shape_cast %broadcast_in_dim3A_223 : vector<8x1xi32> to vector<8x1xi32>
        %broadcast_in_dim3A_239 = vector.broadcast %broadcast_in_dim3A_238 : vector<8x1xi32> to vector<8x16xi32>
        %select_n3A_240 = arith.select %eq3A_237, %broadcast_in_dim3A_239, %scan3A_213 : vector<8x16xi1>, vector<8x16xi32>
        %add3A_241 = arith.constant 1 : i32
        %add3A_242 = arith.addi %scan3A_214, %add3A_241 : i32
        scf.yield %select_n3A_228, %select_n3A_234, %select_n3A_240, %add3A_242 : vector<8x2048xf32>, vector<8x16xf32>, vector<8x16xi32>, i32
      }
      %iota3A = tpu.iota {dimensions = array<i32: 1>} : vector<8x128xi32>
      %lt3A_185 = arith.constant 16 : i32
      %lt3A_186 = vector.broadcast %lt3A_185 : i32 to vector<8x128xi32>
      %lt3A_187 = arith.cmpi slt, %iota3A, %lt3A_186 : vector<8x128xi32>
      %jit3A = arith.constant 0 : i32
      %convert_element_type3A_188 = arith.sitofp %jit3A : i32 to f32
      %pad3A = vector.broadcast %convert_element_type3A_188 : f32 to vector<8x112xf32>
      %pad3A_189 = tpu.concatenate %scan3A_184#1, %pad3A in 1 : vector<8x16xf32>, vector<8x112xf32> -> vector<8x128xf32>
      %jit3A_190 = arith.constant -3.000000e+38 : f32
      %broadcast_in_dim3A_191 = vector.broadcast %jit3A_190 : f32 to vector<8x128xf32>
      %select_n3A = arith.select %lt3A_187, %pad3A_189, %broadcast_in_dim3A_191 : vector<8x128xi1>, vector<8x128xf32>
      %lt3A_192 = arith.constant 16 : i32
      %lt3A_193 = vector.broadcast %lt3A_192 : i32 to vector<8x128xi32>
      %lt3A_194 = arith.cmpi slt, %iota3A, %lt3A_193 : vector<8x128xi32>
      %jit3A_195 = arith.constant 0 : i32
      %pad3A_196 = vector.broadcast %jit3A_195 : i32 to vector<8x112xi32>
      %pad3A_197 = tpu.concatenate %scan3A_184#2, %pad3A_196 in 1 : vector<8x16xi32>, vector<8x112xi32> -> vector<8x128xi32>
      %jit3A_198 = arith.constant 1073741824 : i32
      %broadcast_in_dim3A_199 = vector.broadcast %jit3A_198 : i32 to vector<8x128xi32>
      %select_n3A_200 = arith.select %lt3A_194, %pad3A_197, %broadcast_in_dim3A_199 : vector<8x128xi1>, vector<8x128xi32>
      %mul3A_201 = arith.constant 128 : i32
      %mul3A_202 = arith.muli %arg0, %mul3A_201 : i32
      %swap3A = arith.constant 0 : index
      %swap3A_203 = arith.index_cast %mul3A_202 : i32 to index
      %swap3A_204 = vector.load %arg9[%swap3A, %swap3A_203] : memref<8x6656xf32, #tpu.memory_space<vmem>>, vector<8x128xf32>
      tpu.vector_store %arg9[%swap3A, %swap3A_203], %select_n3A {strides = array<i32>} : memref<8x6656xf32, #tpu.memory_space<vmem>>, vector<8x128xf32>,
      %mul3A_205 = arith.constant 128 : i32
      %mul3A_206 = arith.muli %arg0, %mul3A_205 : i32
      %swap3A_207 = arith.constant 0 : index
      %swap3A_208 = arith.index_cast %mul3A_206 : i32 to index
      %swap3A_209 = vector.load %arg10[%swap3A_207, %swap3A_208] : memref<8x6656xi32, #tpu.memory_space<vmem>>, vector<8x128xi32>
      tpu.vector_store %arg10[%swap3A_207, %swap3A_208], %select_n3A_200 {strides = array<i32>} : memref<8x6656xi32, #tpu.memory_space<vmem>>, vector<8x128xi32>,
    } else {
    }
    %eq3A = arith.constant 51 : i32
    %eq3A_12 = arith.cmpi eq, %arg0, %eq3A : i32
    %convert_element_type3A_13 = arith.extui %eq3A_12 : i1 to i32
    %cond3A_14 = arith.constant 0 : i32
    %cond3A_15 = arith.cmpi ne, %convert_element_type3A_13, %cond3A_14 : i32
    scf.if %cond3A_15 {
      %get3A_16 = arith.constant 0 : index
      %get3A_17 = arith.constant 0 : index
      %get3A_18 = vector.load %arg9[%get3A_16, %get3A_17] : memref<8x6656xf32, #tpu.memory_space<vmem>>, vector<8x6656xf32>
      %get3A_19 = arith.constant 0 : index
      %get3A_20 = arith.constant 0 : index
      %get3A_21 = vector.load %arg10[%get3A_19, %get3A_20] : memref<8x6656xi32, #tpu.memory_space<vmem>>, vector<8x6656xi32>
      %broadcast_in_dim3A_22 = arith.constant -3.000000e+38 : f32
      %broadcast_in_dim3A_23 = vector.broadcast %broadcast_in_dim3A_22 : f32 to vector<8x16xf32>
      %broadcast_in_dim3A_24 = arith.constant 1073741824 : i32
      %broadcast_in_dim3A_25 = vector.broadcast %broadcast_in_dim3A_24 : i32 to vector<8x16xi32>
      %scan3A = arith.constant 0 : i32
      %scan3A_26 = arith.constant 0 : i32
      %scan3A_27 = arith.constant 16 : i32
      %scan3A_28 = arith.addi %scan3A_26, %scan3A_27 : i32
      %scan3A_29 = arith.constant 1 : i32
      %scan3A_30:4 = scf.for %scan3A_36 = %scan3A_26 to %scan3A_28 step %scan3A_29 iter_args(%scan3A_37 = %get3A_18, %scan3A_38 = %broadcast_in_dim3A_23, %scan3A_39 = %broadcast_in_dim3A_25, %scan3A_40 = %scan3A) -> (vector<8x6656xf32>, vector<8x16xf32>, vector<8x16xi32>, i32)  : i32 {
        %reduce_max3A = arith.constant dense<0xFF800000> : vector<8xf32>
        %reduce_max3A_41 = vector.multi_reduction <maximumf>, %scan3A_37, %reduce_max3A [1] : vector<8x6656xf32> to vector<8xf32>
        %broadcast_in_dim3A_42 = vector.shape_cast %reduce_max3A_41 : vector<8xf32> to vector<8x1xf32>
        %eq3A_43 = vector.broadcast %broadcast_in_dim3A_42 : vector<8x1xf32> to vector<8x6656xf32>
        %eq3A_44 = arith.cmpf oeq, %scan3A_37, %eq3A_43 : vector<8x6656xf32>
        %jit3A = arith.constant 1073741824 : i32
        %broadcast_in_dim3A_45 = vector.broadcast %jit3A : i32 to vector<8x6656xi32>
        %select_n3A = arith.select %eq3A_44, %get3A_21, %broadcast_in_dim3A_45 : vector<8x6656xi1>, vector<8x6656xi32>
        %reduce_min3A = arith.constant dense<2147483647> : vector<8xi32>
        %reduce_min3A_46 = vector.multi_reduction <minsi>, %select_n3A, %reduce_min3A [1] : vector<8x6656xi32> to vector<8xi32>
        %broadcast_in_dim3A_47 = vector.shape_cast %reduce_min3A_46 : vector<8xi32> to vector<8x1xi32>
        %eq3A_48 = vector.broadcast %broadcast_in_dim3A_47 : vector<8x1xi32> to vector<8x6656xi32>
        %eq3A_49 = arith.cmpi eq, %get3A_21, %eq3A_48 : vector<8x6656xi32>
        %jit3A_50 = arith.constant -3.000000e+38 : f32
        %broadcast_in_dim3A_51 = vector.broadcast %jit3A_50 : f32 to vector<8x6656xf32>
        %select_n3A_52 = arith.select %eq3A_49, %broadcast_in_dim3A_51, %scan3A_37 : vector<8x6656xi1>, vector<8x6656xf32>
        %iota3A = tpu.iota {dimensions = array<i32: 1>} : vector<8x16xi32>
        %eq3A_53 = vector.broadcast %scan3A_40 : i32 to vector<8x16xi32>
        %eq3A_54 = arith.cmpi eq, %iota3A, %eq3A_53 : vector<8x16xi32>
        %broadcast_in_dim3A_55 = vector.shape_cast %broadcast_in_dim3A_42 : vector<8x1xf32> to vector<8x1xf32>
        %broadcast_in_dim3A_56 = vector.broadcast %broadcast_in_dim3A_55 : vector<8x1xf32> to vector<8x16xf32>
        %select_n3A_57 = arith.select %eq3A_54, %broadcast_in_dim3A_56, %scan3A_38 : vector<8x16xi1>, vector<8x16xf32>
        %iota3A_58 = tpu.iota {dimensions = array<i32: 1>} : vector<8x16xi32>
        %eq3A_59 = vector.broadcast %scan3A_40 : i32 to vector<8x16xi32>
        %eq3A_60 = arith.cmpi eq, %iota3A_58, %eq3A_59 : vector<8x16xi32>
        %broadcast_in_dim3A_61 = vector.shape_cast %broadcast_in_dim3A_47 : vector<8x1xi32> to vector<8x1xi32>
        %broadcast_in_dim3A_62 = vector.broadcast %broadcast_in_dim3A_61 : vector<8x1xi32> to vector<8x16xi32>
        %select_n3A_63 = arith.select %eq3A_60, %broadcast_in_dim3A_62, %scan3A_39 : vector<8x16xi1>, vector<8x16xi32>
        %add3A_64 = arith.constant 1 : i32
        %add3A_65 = arith.addi %scan3A_40, %add3A_64 : i32
        scf.yield %select_n3A_52, %select_n3A_57, %select_n3A_63, %add3A_65 : vector<8x6656xf32>, vector<8x16xf32>, vector<8x16xi32>, i32
      }
      %swap3A = arith.constant 0 : index
      %swap3A_31 = arith.constant 0 : index
      %swap3A_32 = vector.load %arg7[%swap3A, %swap3A_31] : memref<8x16xf32, #tpu.memory_space<vmem>>, vector<8x16xf32>
      tpu.vector_store %arg7[%swap3A, %swap3A_31], %scan3A_30#1 {strides = array<i32>} : memref<8x16xf32, #tpu.memory_space<vmem>>, vector<8x16xf32>,
      %swap3A_33 = arith.constant 0 : index
      %swap3A_34 = arith.constant 0 : index
      %swap3A_35 = vector.load %arg8[%swap3A_33, %swap3A_34] : memref<8x16xi32, #tpu.memory_space<vmem>>, vector<8x16xi32>
      tpu.vector_store %arg8[%swap3A_33, %swap3A_34], %scan3A_30#2 {strides = array<i32>} : memref<8x16xi32, #tpu.memory_space<vmem>>, vector<8x16xi32>,
    } else {
    }
    return
  }
  func.func @transform_0(%arg0: i32) -> (i32, i32) {
    %min3A = arith.constant 49 : i32
    %min3A_0 = arith.minsi %arg0, %min3A : i32
    %c0_i32 = arith.constant 0 : i32
    %c0_i32_1 = arith.constant 0 : i32
    return %min3A_0, %c0_i32 : i32, i32
  }
  func.func @transform_1(%arg0: i32) -> (i32, i32) {
    %sub3A = arith.constant 50 : i32
    %sub3A_0 = arith.subi %arg0, %sub3A : i32
    %max3A = arith.constant 0 : i32
    %max3A_1 = arith.maxsi %sub3A_0, %max3A : i32
    %c0_i32 = arith.constant 0 : i32
    %c0_i32_2 = arith.constant 0 : i32
    return %max3A_1, %c0_i32 : i32, i32
  }
  func.func @transform_2(%arg0: i32) -> (i32, i32) {
    %c0_i32 = arith.constant 0 : i32
    %c0_i32_0 = arith.constant 0 : i32
    %c0_i32_1 = arith.constant 0 : i32
    return %c0_i32, %c0_i32_0 : i32, i32
  }
  func.func @transform_3(%arg0: i32) -> (i32, i32, i32) {
    %min3A = arith.constant 49 : i32
    %min3A_0 = arith.minsi %arg0, %min3A : i32
    %c0_i32 = arith.constant 0 : i32
    %c0_i32_1 = arith.constant 0 : i32
    %c0_i32_2 = arith.constant 0 : i32
    return %min3A_0, %c0_i32, %c0_i32_1 : i32, i32, i32
  }
  func.func @transform_4(%arg0: i32) -> (i32, i32, i32) {
    %sub3A = arith.constant 50 : i32
    %sub3A_0 = arith.subi %arg0, %sub3A : i32
    %max3A = arith.constant 0 : i32
    %max3A_1 = arith.maxsi %sub3A_0, %max3A : i32
    %c0_i32 = arith.constant 0 : i32
    %c0_i32_2 = arith.constant 0 : i32
    %c0_i32_3 = arith.constant 0 : i32
    return %max3A_1, %c0_i32, %c0_i32_2 : i32, i32, i32
  }
  func.func @transform_5(%arg0: i32) -> (i32, i32, i32) {
    %sub3A = arith.constant 50 : i32
    %sub3A_0 = arith.subi %arg0, %sub3A : i32
    %max3A = arith.constant 0 : i32
    %max3A_1 = arith.maxsi %sub3A_0, %max3A : i32
    %c0_i32 = arith.constant 0 : i32
    %c0_i32_2 = arith.constant 0 : i32
    %c0_i32_3 = arith.constant 0 : i32
    return %max3A_1, %c0_i32, %c0_i32_2 : i32, i32, i32
  }
  func.func @transform_6(%arg0: i32) -> (i32, i32) {
    %c0_i32 = arith.constant 0 : i32
    %c0_i32_0 = arith.constant 0 : i32
    %c0_i32_1 = arith.constant 0 : i32
    return %c0_i32, %c0_i32_0 : i32, i32
  }
  func.func @transform_7(%arg0: i32) -> (i32, i32) {
    %c0_i32 = arith.constant 0 : i32
    %c0_i32_0 = arith.constant 0 : i32
    %c0_i32_1 = arith.constant 0 : i32
    return %c0_i32, %c0_i32_0 : i32, i32
  }
}

</mosaic_0001>

<sc_bundles>
// kernel: gather_offload_async_start
scs
__scs_entry_jumppad:
0x0: {  	(pc) =	sbr.rel $0x88, $3  }
0x1: {  	(tag) =	ssettag $0x0;
	lr =	simm.s32 $0x1  }
0x2: {  	[smem:$0x3F9D] =	sst lr;
	_ =	strace $0xD0000000  }
0x3: {  	_ = 	snop  }
0x4: {  	_ = 	snop  }
0x5: {  	_ = 	snop  }
0x6: {  	_ = 	snop  }
0x7: {  	_ = 	snop  }
__scs_overlays_trampoline_lowered:
0x8: {  	[smem:$0x3FAC] =	sst s0  }
0x9: {  	[smem:$0x3FAD] =	sst s1  }
0xa: {  	[smem:$0x3FAE] =	sst s2  }
0xb: {  	[smem:$0x3FAF] =	sst s3  }
0xc: {  	[smem:$0x3FB0] =	sst s4  }
0xd: {  	[smem:$0x3FB1] =	sst s5  }
0xe: {  	[smem:$0x3FB2] =	sst s6  }
0xf: {  	[smem:$0x3FB3] =	sst s7  }
0x10: {  	[smem:$0x3FB4] =	sst s8  }
0x11: {  	[smem:$0x3FB5] =	sst s9;
	s0 =	simm.s32 @!p0 $0x0  }
0x12: {  	s1 =	sld [smem:$0x3F9B];
	s0 =	simm.s32 @p0 $0x1  }
0x13: {  	[smem:$0x3FB6] =	sst s0;
	s0 =	simm.s32 @!p1 $0x0  }
0x14: {  	s2 =	sld [smem:$0x3F9A];
	s0 =	simm.s32 @p1 $0x1  }
0x15: {  	[smem:$0x3FB7] =	sst s0;
	s0 =	simm.s32 @!p2 $0x0  }
0x16: {  	s3 =	sld [smem:$0x3FDB];
	s0 =	simm.s32 @p2 $0x1  }
0x17: {  	s4 =	simm.s32 $0x1BF5;
	[smem:$0x3FB9] =	sst s0  }
0x18: {  	s0 =	sld [smem:$0x3F9C];
	_ =	swait.ge [sflag:s4], $0x0  }
0x19: {  	s7 =	sld [smem:$0x3F9D]  }
0x1a: {  	s8 =	sadd.s32 $0xFFFFE003, lr  }
0x1b: {  	s9 =	sadd.s32 $0xFFFFFEF7, lr;
	s5 =	simm.s32 $0xFFFFFFFF;
	p2 =	slt.u32 s8, $0xFFFFF086  }
0x1c: {  	p1 =	slt.u32 s9, $0xF7A;
	s5 =	simm.s32 @!p2 $0x0  }
0x1d: {  	s5 =	simm.s32 @p1 $0x1;
	p0 =	seq.s32 s7, s2  }
0x1e: {  	s7 =	smul.u32 @!p0 $0xF7A, s2;
	p2 =	seq.s32 @!p0 s5, $0x0  }
0x1f: {  	s9 =	smul.u32 $0xF7A, s1;
	s8 =	simm.s32 @!p0 $0x1BF5;
	p2 =	por !p2, p0  }
0x20: {  	[sflag:s8] =	ssyncset.s32 @!p0 $0xFFFFF086;
	s6 =	sadd.s32 @!p0 s3, s7;
	s7 =	simm.s32 @!p0 $0x108  }
0x21: {  	s3 =	sadd.s32 s3, s9;
	s6 =	sadd.s32 @!p0 $0x88, s6;
	s7 =	simm.s32 @p2 $0x1082  }
0x22: {  	[simem:s7], [sflag:s8] =	dma.local @!p0 [hbm:s6], $0xF7A  }
0x23: {  	s9 =	sor.u32 $0xD0000000, s2;
	s6 =	simm.s32 $0x108;
	_ =	swait.ge @!p0 [sflag:s8], $0x0  }
0x24: {  	s3 =	sadd.s32 $0x88, s3;
	s6 =	simm.s32 @!p1 $0x1082;
	[sflag:s4] =	ssyncset.s32 $0xFFFFF086  }
0x25: {  	[simem:s6], [sflag:s4] =	dma.local [hbm:s3], $0xF7A  }
0x26: {  	[smem:$0x3F9D] =	sst s1;
	(tag) =	ssettag s2;
	_ =	strace s9  }
0x27: {  	s1 =	sld [smem:$0x3FAD]  }
0x28: {  	s2 =	sld [smem:$0x3FAE]  }
0x29: {  	s4 =	sld [smem:$0x3FB0]  }
0x2a: {  	p0 =	seq.s32 s5, $0x0;
	s5 =	sld [smem:$0x3FB1]  }
0x2b: {  	s6 =	sld [smem:$0x3FB2]  }
0x2c: {  	s7 =	sld [smem:$0x3FB3]  }
0x2d: {  	s3 =	simm.s32 $0x108;
	s8 =	sld [smem:$0x3FB4]  }
0x2e: {  	s3 =	simm.s32 @!p0 $0x1082;
	s9 =	sld [smem:$0x3FB5]  }
0x2f: {  	lr =	sadd.s32 s0, s3;
	s0 =	sld [smem:$0x3FAC]  }
0x30: {  	s3 =	sld [smem:$0x3FAF]  }
0x31: {  	[smem:$0x3FB8] =	sst s10  }
0x32: {  	s10 =	sld [smem:$0x3FB6];
	_ =	sdelay $0x3  }
0x33: {  	p0 =	seq.s32 s10, $0x1;
	s10 =	sld [smem:$0x3FB8];
	_ =	sdelay $0x3  }
0x34: {  	[smem:$0x3FB8] =	sst s10  }
0x35: {  	s10 =	sld [smem:$0x3FB7];
	_ =	sdelay $0x3  }
0x36: {  	p1 =	seq.s32 s10, $0x1;
	s10 =	sld [smem:$0x3FB8];
	_ =	sdelay $0x3  }
0x37: {  	[smem:$0x3FB8] =	sst s10  }
0x38: {  	s10 =	sld [smem:$0x3FB9]  }
0x39: {  	_ = 	snop;
	(pc) =	sbr.ind lr, $3  }
0x3a: {  	_ = 	snop  }
0x3b: {  	_ = 	snop  }
0x3c: {  	p2 =	seq.s32 s10, $0x1;
	s10 =	sld [smem:$0x3FB8]  }
0x3d: {  	_ =	shalt  }
0x3e: {  	_ =	shalt  }
0x3f: {  	_ =	shalt  }
0x40: {  	_ =	shalt  }
0x41: {  	_ =	shalt  }
0x42: {  	_ =	shalt  }
0x43: {  	_ =	shalt  }
0x44: {  	_ =	shalt  }
0x45: {  	_ =	shalt  }
0x46: {  	_ =	shalt  }
0x47: {  	_ =	shalt  }
0x48: {  	_ =	shalt  }
0x49: {  	_ =	shalt  }
0x4a: {  	_ =	shalt  }
0x4b: {  	_ =	shalt  }
0x4c: {  	_ =	shalt  }
0x4d: {  	_ =	shalt  }
0x4e: {  	_ =	shalt  }
0x4f: {  	_ =	shalt  }
0x50: {  	_ =	shalt  }
0x51: {  	_ =	shalt  }
0x52: {  	_ =	shalt  }
0x53: {  	_ =	shalt  }
0x54: {  	_ =	shalt  }
0x55: {  	_ =	shalt  }
0x56: {  	_ =	shalt  }
0x57: {  	_ =	shalt  }
0x58: {  	_ =	shalt  }
0x59: {  	_ =	shalt  }
0x5a: {  	_ =	shalt  }
0x5b: {  	_ =	shalt  }
0x5c: {  	_ =	shalt  }
0x5d: {  	_ =	shalt  }
0x5e: {  	_ =	shalt  }
0x5f: {  	_ =	shalt  }
0x60: {  	_ =	shalt  }
0x61: {  	_ =	shalt  }
0x62: {  	_ =	shalt  }
0x63: {  	_ =	shalt  }
0x64: {  	_ =	shalt  }
0x65: {  	_ =	shalt  }
0x66: {  	_ =	shalt  }
0x67: {  	_ =	shalt  }
0x68: {  	_ =	shalt  }
0x69: {  	_ =	shalt  }
0x6a: {  	_ =	shalt  }
0x6b: {  	_ =	shalt  }
0x6c: {  	_ =	shalt  }
0x6d: {  	_ =	shalt  }
0x6e: {  	_ =	shalt  }
0x6f: {  	_ =	shalt  }
0x70: {  	_ =	shalt  }
0x71: {  	_ =	shalt  }
0x72: {  	_ =	shalt  }
0x73: {  	_ =	shalt  }
0x74: {  	_ =	shalt  }
0x75: {  	_ =	shalt  }
0x76: {  	_ =	shalt  }
0x77: {  	_ =	shalt  }
0x78: {  	_ =	shalt  }
0x79: {  	_ =	shalt  }
0x7a: {  	_ =	shalt  }
0x7b: {  	_ =	shalt  }
0x7c: {  	_ =	shalt  }
0x7d: {  	_ =	shalt  }
0x7e: {  	_ =	shalt  }
0x7f: {  	_ =	shalt  }
0x80: {  	_ =	shalt  }
0x81: {  	_ =	shalt  }
0x82: {  	_ =	shalt  }
0x83: {  	_ =	shalt  }
0x84: {  	_ =	shalt  }
0x85: {  	_ =	shalt  }
0x86: {  	_ =	shalt  }
0x87: {  	_ =	shalt  }
.Lfunc_end0:
.L_simem_size_0:
called_computation_lowered:
.L_overlay_start_0:
0x88: {  	s2 =	sld [smem:$0x3FD9]  }
0x89: {  	s3 =	sld [smem:$0x3FFE];
	_ =	sdelay $0x1  }
0x8a: {  	s1 =	srdreg.scid  }
0x8b: {  	s0 =	sand.u32 $0x1, s1  }
0x8c: {  	s17 =	sshll.u32 s0, $0xA;
	s2 =	sadd.s32 s3, s2  }
0x8d: {  	s2 =	sadd.s32 s2, s17  }
0x8e: {  	[smem:$0x3FC4] =	sst s2  }
0x8f: {  	_ = 	snop  }
0x90: {  	s2 =	sld [smem:$0x3FC8];
	(tm) =	ssettm $0x1  }
0x91: {  	s18 =	sld [smem:$0x3FFB];
	_ =	sdelay $0x3  }
0x92: {  	_ =	strace s18  }
0x93: {  	s3 =	sld [smem:$0x3FFC];
	_ =	sdelay $0x3  }
0x94: {  	_ =	strace s3  }
0x95: {  	s3 =	sld [smem:$0x3FFD];
	_ =	sdelay $0x3  }
0x96: {  	_ =	strace s3  }
0x97: {  	_ =	strace $0x8FFFFFFF  }
0x98: {  	s19 =	sld [smem:$0x3FDB];
	_ =	sdelay $0x1  }
0x99: {  	s4 =	simm.s32 $_scs_section_size  }
0x9a: {  	s5 =	simm.s32 $_size__tile_overlayer_lowered;
	s6 =	simm.s32 $_tile_overlayer_lowered  }
0x9b: {  	s22 =	simm.s32 $0x1BFF;
	s21 =	sshll.u32 s6, $0x1;
	s3 =	sadd.s32 s4, s19  }
0x9c: {  	s7 =	simm.s32 $0x0;
	s20 =	sshll.u32 s5, $0x1;
	s5 =	sadd.s32 s21, s3  }
0x9d: {  	[timem:s7], [sflag:s22] =	dma.local [hbm:s5], s20  }
0x9e: {  	_ =	swait.ge [sflag:s22], s20  }
0x9f: {  	s4 =	ssub.s32 $0x0, s20;
	[sflag:s22] =	ssyncset.done $0x0  }
0xa0: {  	[sflag:s22] =	ssyncadd.s32 s4;
	_ =	sdelay $0x1  }
0xa1: {  	s23 =	simm.s32 $0x1B8B  }
0xa2: {  	_ =	swait.ge [sflag:s23], $0x1  }
0xa3: {  	[sflag:s23] =	ssyncset.done $0x0  }
0xa4: {  	s25 =	simm.s32 $0x1B8E;
	s24 =	sld [smem:$0x3FFE];
	[sflag:s23] =	ssyncadd.s32 $0xFFFFFFFF  }
0xa5: {  	s26 =	simm.s32 $execute0_lowered;
	[smem:$0x3FD2] =	sst s25  }
0xa6: {  	s5 =	sshll.u32 s26, $0x1;
	_ =	strace $0x80000046;
	[dreg:$0x1] =	wrdreg $0xFFFFFFFF  }
0xa7: {  	s28 =	simm.s32 $_size_execute0_lowered;
	s3 =	sadd.s32 s3, s5;
	[dreg:$0x0] =	wrdreg $0x0  }
0xa8: {  	s5 =	sshll.u32 s28, $0x1;
	[dreg:$0x2] =	wrdreg s3  }
0xa9: {  	[dreg:$0x3] =	wrdreg s5  }
0xaa: {  	[dreg:$0x4] =	wrdreg $0xC0  }
0xab: {  	_ =	task [dreg:s7], $0x5FFFF  }
0xac: {  	[dreg:$0x1] =	wrdreg $0xFFFFFFFF  }
0xad: {  	[dreg:$0x0] =	wrdreg $0x60  }
0xae: {  	[dreg:$0x2] =	wrdreg s2  }
0xaf: {  	[dreg:$0x3] =	wrdreg s24  }
0xb0: {  	[dreg:$0x4] =	wrdreg $0x9  }
0xb1: {  	_ =	task.clear_ibuf [dreg:s7], $0x5FFFF;
	_ =	strace $0x90000046  }
0xb2: {  	s29 =	simm.s32 $0x9;
	_ =	strace $0x80000048  }
0xb3: {  	_ =	swait.ge [sflag:s29], $0x1  }
0xb4: {  	[sflag:s29] =	ssyncadd.s32 $0xFFFFFFFF  }
0xb5: {  	_ =	strace $0x90000048  }
0xb6: {  	_ =	sfence  }
0xb7: {  	s30 =	sld [smem:$0x0];
	_ =	sdelay $0x2  }
0xb8: {  	s31 =	sshll.u32 s1, $0xD;
	s1 =	sshrl.u32 s1, $0x2  }
0xb9: {  	s3 =	sand.u32 $0x4000, s31;
	s1 =	sadd.s32 s1, s30  }
0xba: {  	s0 =	sor.u32 s3, s0;
	s1 =	sshll.u32 s1, $0x11  }
0xbb: {  	s0 =	sor.u32 s1, s0  }
0xbc: {  	s0 =	sadd.s32 $0x8F2B, s0  }
0xbd: {  	[sflag:s0] =	ssyncadd.remote.s32 $0x1  }
0xbe: {  	_ =	sfence.sel $0xFFFF  }
0xbf: {  	[dreg:$0x0] =	wrdreg $0xFFFFFFFF;
	(pc) =	sbr.abs _section_cstart, $3  }
0xc0: {  	[dreg:$0x1] =	wrdreg $0xFFFFFFFF  }
0xc1: {  	_ =	task.clear_ibuf [dreg:s7], $0x2FFFF;
	_ =	strace $0x9FFFFFFF  }
0xc2: {  	(tm) =	ssettm $0x7FFFFFFF  }
0xc3: {  	_ =	shalt  }
tec
execute0_lowered:
.L_overlay_start_1:
0x0: {  	(tag) =	ssettag $0x1  }
0x1: {  	s1 =	srdreg.scid;
	s2 =	rddreg [dreg:$0x0]  }
0x2: {  	s0 =	stileid.u32;
	s3 =	rddreg [dreg:$0x1]  }
0x3: {  	s6 =	simm.s32 $0x1;
	s9 =	simm.s32 $0x1;
	s1 =	sshll.u32 s1, $0x6  }
0x4: {  	s10 =	simm.s32 $0x3;
	s4 =	sshll.u32 s0, $0x7;
	s5 =	sand.u32 $0x40, s1  }
0x5: {  	s13 =	simm.s32 $0x0;
	s12 =	simm.s32 $0x0;
	s4 =	sor.u32 s4, s5  }
0x6: {  	s1 =	rddreg [dreg:$0x2];
	_ =	strace $0x80000047;
	s8 =	ssub.s32 $0x1000, s4  }
.Ltmp0:
0x7: {  	s5 =	sadd.s32 $0x200, s3;
	s7 =	sand.u32 $0x7C0, s8;
	(pc) =	sbr.rel .LBB2_1-.Ltmp0, $4  }
0x8: {  	[sflag:s6] =	ssyncpa.u1 $0x0;
	s11 =	smov.u32 s4;
	p0 =	sne.s32 s7, $0x0  }
0x9: {  	s8 =	sshrl.u32 s8, $0xB;
	s7 =	simm.s32 $0x2;
	s9 =	simm.s32 @!p0 $0x0  }
0xa: {  	[sflag:s7] =	ssyncpa.u1 $0x0;
	p0 =	por $0x0, $0x0;
	s8 =	sadd.s32 s9, s8  }
0xb: {  	vm0 =	vmmov $0xffff;
	[sflag:s10] =	ssyncpa.u1 $0x0;
	s10 =	simm.s32 $0x0;
	s9 =	sadd.s32 $0x1, s8  }
.LBB2_4:
0xc: {  	v2 =	vnsel vm1, $0x0, v2  }
0xd: {  	vm1 =	vgt.s32 v0, $0x0;
	v2 =	vmin.u32 v2, $0xFFF  }
0xe: {  	v0 =	vnsel vm1, $0x0, v0  }
0xf: {  	v0 =	vmin.u32 v0, $0xFFF  }
0x10: {  	[tilespmem:s15], [sflag:$0x1] =	stream.indirect_vreg.gather [hbm4b:s2+s10], $0x1, v1, vm0, $0x4038;
	[tilespmem:$0x100] =	vst v63  }
0x11: {  	(ifvalue) =	ssetifvalue $0x7FFFFFFF  }
0x12: {  	[tilespmem:s16], [sflag:$0x1] =	stream.indirect_vreg.gather [hbm4b:s2+s10], $0x1, v2, vm0, $0x4038;
	[tilespmem:$0x100] =	vst v63  }
0x13: {  	s29 =	sadd.s32 $0x10, s16;
	(ifvalue) =	ssetifvalue $0x7FFFFFFF  }
0x14: {  	[tilespmem:s29], [sflag:$0x1] =	stream.indirect_vreg.gather [hbm4b:s2+s10], $0x1, v0, vm0, $0x4038;
	[tilespmem:$0x100] =	vst v63  }
0x15: {  	_ =	swait.ge [sflag:s6], $0x40  }
0x16: {  	s30 =	sshrl.u32 s13, $0x3;
	[sflag:s6] =	ssyncset.done $0x0  }
0x17: {  	s31 =	sand.u32 $0x7, s13;
	s15 =	sadd.s32 s5, s30;
	[sflag:s6] =	ssyncadd.s32 $0xFFFFFFC0  }
0x18: {  	[hbm4b:s15+s31] =	stream.linear.scatter [tilespmem:s14], [sflag:$0x3], $0x40, $0x38;
	[tilespmem:$0x100] =	vst v63  }
.LBB2_5:
0x19: {  	s15 =	sadd.s32 $0x800, s11  }
0x1a: {  	p2 =	sgt.s32 s15, $0xFFF  }
0x1b: {  	s15 =	smov.u32 @p2 s4;
	p2 =	sne.s32 s12, s9  }
.Ltmp1:
0x1c: {  	p1 =	slt.u32 s12, $0x2;
	(pc) =	sbr.rel @!p2 .LBB2_6-.Ltmp1, $4  }
0x1d: {  	s14 =	simm.s32 @!p1 $0x3  }
0x1e: {  	s16 =	sadd.s32 $0x1, s12;
	_ =	swait.ge @!p1 [sflag:s14], $0x40  }
0x1f: {  	s13 =	smov.u32 s11;
	p0 =	por !p0, !p0;
	[sflag:s14] =	ssyncset.done @!p1 $0x0  }
0x20: {  	s12 =	smov.u32 s16;
	s11 =	smov.u32 s15;
	[sflag:s14] =	ssyncadd.s32 @!p1 $0xFFFFFFC0  }
.LBB2_1:
0x21: {  	p1 =	sge.u32 s12, s8  }
0x22: {  	s14 =	sxor.u32 @!p1 $0xFFFFFFFF, s12  }
0x23: {  	s31 =	sadd.s32 $0xFFFFFFFF, s12;
	s15 =	sshrl.u32 @!p1 s11, $0x3;
	s14 =	sshll.u32 @!p1 s14, $0x6  }
0x24: {  	s16 =	sand.u32 @!p1 $0x7, s11;
	s15 =	sadd.s32 @!p1 s3, s15;
	s14 =	sand.u32 @!p1 $0x40, s14  }
0x25: {  	[tilespmem:s14], [sflag:$0x2] =	stream.linear.gather @!p1 [hbm4b:s15+s16], $0x40, $0x38;
	[tilespmem:$0x100] =	vst v63  }
0x26: {  	p1 =	sge.u32 s31, s8  }
.Ltmp2:
0x27: {  	_ = 	snop;
	(pc) =	sbr.rel @p1 .LBB2_5-.Ltmp2, $1  }
0x28: {  	_ =	sdelay $0x3  }
0x29: {  	s14 =	simm.s32 $0x1  }
0x2a: {  	_ =	swait.ge [sflag:s7], $0x40;
	s14 =	simm.s32 @!p0 $0x0  }
0x2b: {  	[sflag:s7] =	ssyncset.done $0x0;
	s14 =	sshll.u32 s14, $0x6  }
0x2c: {  	[sflag:s7] =	ssyncadd.s32 $0xFFFFFFC0;
	(ifvalue) =	ssetifvalue $0x7FFFFFFF;
	v0 =	vld.msk [tilespmem:s14+$0x0 ss:$0x1], $0xffff;
	_ =	sdelay $0x4  }
0x2d: {  	s15 =	sadd.s32 $0x10, s14;
	vm1 =	vgt.s32 v0, $0x0  }
0x2e: {  	v2 =	vld.msk [tilespmem:s15+$0x0 ss:$0x1], $0xffff;
	v1 =	vnsel vm1, $0x0, v0  }
0x2f: {  	v1 =	vmin.u32 v1, $0xFFF;
	_ =	sdelay $0x1  }
0x30: {  	s16 =	sshll.u32 s12, $0x6;
	s18 =	simm.s32 $0x20  }
0x31: {  	s16 =	sand.u32 $0x40, s16;
	s17 =	sadd.s32 $0x10, s15;
	s15 =	sor.u32 $0x80, s14  }
0x32: {  	s14 =	sor.u32 $0x80, s16;
	s16 =	sadd.s32 $0x10, s15;
	v0 =	vld.msk [tilespmem:s17+$0x0 ss:$0x1], $0xffff;
	vm1 =	vgt.s32 v2, $0x0;
	(ifvalue) =	ssetifvalue $0x7FFFFFFF  }
.LBB2_3:
0x33: {  	[tilespmem:s15], [sflag:$0x1] =	stream.indirect_vreg.gather [hbm4b:s2+s10], $0x1, v1, vm0, $0x4038;
	[tilespmem:$0x100] =	vst v63  }
0x34: {  	s18 =	sadd.s32 $0x10, s18  }
0x35: {  	v2 =	vnsel vm1, $0x0, v2;
	p1 =	slt.u32 s18, $0x30  }
.Ltmp3:
0x36: {  	s15 =	smov.u32 s16;
	v1 =	vmin.u32 v2, $0xFFF;
	(pc) =	sbr.rel @p1 .LBB2_3-.Ltmp3, $3  }
0x37: {  	_ =	sdelay $0x1  }
0x38: {  	s17 =	sadd.s32 $0x10, s17  }
0x39: {  	vm1 =	vgt.s32 v0, $0x0;
	s16 =	sadd.s32 $0x10, s16;
	v2 =	vmov v0;
	(ifvalue) =	ssetifvalue $0x7FFFFFFF;
	v0 =	vld.msk [tilespmem:s17+$0x0 ss:$0x1], $0xffff  }
.Ltmp4:
0x3a: {  	_ = 	snop;
	(pc) =	sbr.rel .LBB2_4-.Ltmp4, $1  }
0x3b: {  	_ =	sdelay $0x3  }
.LBB2_6:
0x3c: {  	_ =	sfence.sel $0x180000  }
0x3d: {  	s2 =	simm.s32 $0x2;
	[bflag:$0x0] =	sbarrier.arrive $0xFFFF  }
0x3e: {  	s30 =	simm.s32 $0x3;
	[sflag:s2] =	ssyncpa.u1 $0x1  }
0x3f: {  	s31 =	simm.s32 $0x1;
	[sflag:s30] =	ssyncpa.u1 $0x1  }
0x40: {  	[sflag:s31] =	ssyncpa.u1 $0x1  }
0x41: {  	p0 =	sne.s32 s0, $0x0;
	_ =	strace $0x90000047  }
0x42: {  	s0 =	sadd.s32 @!p0 $0x100000, s1;
	[bflag:$0x2] =	sbarrier.arrive $0xFFFF  }
0x43: {  	[sflag:s0] =	ssyncadd.tile.s32 @!p0 $0x1;
	_ =	shalt  }
.Lfunc_end2:
_tile_overlayer_lowered:
.L_overlay_start_2:
0x44: {  	(tag) =	ssettag $0x2  }
0x45: {  	s0 =	rddreg [dreg:$0x0];
	s2 =	stileid.u32  }
0x46: {  	s1 =	rddreg [dreg:$0x1];
	p0 =	sne.s32 s2, $0x0  }
0x47: {  	s3 =	rddreg [dreg:$0x2];
	[bflag:$0x3] =	sbarrier.arrive $0xFFFF;
	s2 =	simm.s32 @!p0 $0x1C01  }
0x48: {  	[timem:s3], [sflag:s2] =	dma.local @!p0 [hbm:s0], s1  }
0x49: {  	s0 =	simm.s32 @!p0 $0x1  }
0x4a: {  	_ =	swait.ge @!p0 [sflag:s0], s1  }
0x4b: {  	s1 =	ssub.s32 @!p0 $0x0, s1;
	[sflag:s0] =	ssyncset.done @!p0 $0x0  }
0x4c: {  	[sflag:s0] =	ssyncadd.s32 @!p0 s1  }
0x4d: {  	[bflag:$0x3] =	sbarrier.arrive $0xFFFF  }
0x4e: {  	_ =	shalt  }

</sc_bundles>
